<compile_context>
chip_gen: v7x
topology: tpu7x:2x2x1
jax: 0.10.2.dev20260603
libtpu: 0.0.44.dev20260713+nightly
codegen_flags: <defaults>
</compile_context>

<pallas_src>
import functools

import jax
import jax.numpy as jnp
from jax import lax
from jax.experimental import pallas as pl
from jax.experimental.pallas import tpu as pltpu
from jax.experimental.pallas import tpu_sc as plsc

_NUM_CLASSES = 1000000
_DROPOUT_PROB = 0.1
_LANES = 16
_SLAB = 512
_RING = 64
_OFF = 8
_CPAD = 536


@functools.lru_cache(maxsize=None)
def _build_sc_gather(batch: int, hidden: int, classes: int):
    info = plsc.get_sparse_core_info()
    nc, ns = info.num_cores, info.num_subcores
    nw = nc * ns
    b_per_w = batch // nw
    classes_pad = -(-classes // 128) * 128
    max_start = classes_pad - _SLAB

    mesh = plsc.VectorSubcoreMesh(core_axis_name="c", subcore_axis_name="s")

    @functools.partial(
        pl.kernel,
        out_type=jax.ShapeDtypeStruct((batch, hidden), jnp.float32),
        mesh=mesh,
        compiler_params=pltpu.CompilerParams(needs_layout_passes=False),
        scratch_types=[
            pltpu.VMEM((_OFF + b_per_w + _LANES,), jnp.int32),
            pltpu.VMEM((b_per_w + _LANES,), jnp.int32),
            pltpu.VMEM((_CPAD,), jnp.int32),
            pltpu.VMEM((_CPAD,), jnp.int32),
            pltpu.VMEM((3, hidden, _SLAB), jnp.float32),
            pltpu.VMEM((_RING, hidden), jnp.float32),
            pltpu.SemaphoreType.DMA,
            pltpu.SemaphoreType.DMA,
            pltpu.SemaphoreType.DMA,
            pltpu.SemaphoreType.DMA,
        ],
    )
    def k(lab_hbm, pos_hbm, tab_t_hbm, out_hbm,
          lab_v, pos_v, cs_v, cb_v, slab_v, ring_v, f0, f1, f2, wsem):
        fsems = (f0, f1, f2)
        wid = lax.axis_index("s") * nc + lax.axis_index("c")
        base = wid * b_per_w
        lab_v[pl.ds(0, _LANES)] = jnp.full((_LANES,), -1, jnp.int32)
        pltpu.sync_copy(lab_hbm.at[pl.ds(base, b_per_w + _LANES)],
                        lab_v.at[pl.ds(_OFF, b_per_w + _LANES)])
        pltpu.sync_copy(pos_hbm.at[pl.ds(base, b_per_w + _LANES)], pos_v)

        row_ids = [lax.iota(jnp.int32, 16) + 16 * t for t in range(hidden // 16)]
        iota16 = lax.iota(jnp.int32, 16)

        def ext(ref, p):
            return ref[pl.ds(p, _LANES)][0]

        def derive(g, cnt):
            labs = lab_v[pl.ds(_OFF + g * 16, 16)]
            prev = lab_v[pl.ds(_OFF + g * 16 - 1, 16)]
            bins = labs >> 9
            is_new = bins != (prev >> 9)
            starts = jnp.minimum(bins << 9, jnp.full((16,), max_start,
                                                     jnp.int32))
            plsc.store_compressed(cs_v.at[pl.ds(cnt, 16)], starts, mask=is_new)
            plsc.store_compressed(cb_v.at[pl.ds(cnt, 16)],
                                  iota16 + g * 16, mask=is_new)
            return cnt + plsc.all_reduce_population_count(is_new)[0]

        nch = lax.fori_loop(0, b_per_w // 16, derive, jnp.int32(0))
        cb_v[pl.ds(nch, 16)] = jnp.full((16,), b_per_w, jnp.int32)

        def fire(g):
            par = lax.rem(g, 3)
            s = ext(cs_v, g)
            s = pl.multiple_of(s, 128)
            for i in range(3):
                @pl.when(par == i)
                def _(i=i):
                    pltpu.async_copy(tab_t_hbm.at[:, pl.ds(s, _SLAB)],
                                     slab_v.at[i], fsems[i])

        fire(0)

        @pl.when(nch > 1)
        def _():
            fire(1)

        def chunk(g, _):
            par = lax.rem(g, 3)
            for i in range(3):
                @pl.when(par == i)
                def _(i=i):
                    pltpu.make_async_copy(
                        tab_t_hbm.at[:, pl.ds(0, _SLAB)], slab_v.at[i],
                        fsems[i]).wait()

            @pl.when(g + 2 < nch)
            def _():
                fire(g + 2)

            start = ext(cs_v, g)
            pb = ext(cb_v, g)
            pe = ext(cb_v, g + 1)
            pvec = jnp.full((_LANES,), par, jnp.int32)

            def label(p, _):
                lab = ext(lab_v, _OFF + p)
                col = jnp.full((_LANES,), lab - start, jnp.int32)
                slot = lax.rem(p, _RING)
                for t in range(hidden // 16):
                    vec = plsc.load_gather(slab_v, [pvec, row_ids[t], col])
                    ring_v[slot, pl.ds(t * 16, 16)] = vec
                pos = ext(pos_v, p)
                pltpu.async_copy(ring_v.at[pl.ds(slot, 1)],
                                 out_hbm.at[pl.ds(pos, 1)], wsem)

                @pl.when(slot == _RING - 1)
                def _():
                    pltpu.make_async_copy(
                        ring_v, out_hbm.at[pl.ds(0, _RING)], wsem).wait()

                return 0

            lax.fori_loop(pb, pe, label, 0)
            return 0

        lax.fori_loop(0, nch, chunk, 0)

    return k


def kernel(labels, table, train):
    batch = labels.shape[0]
    classes, hidden = table.shape
    drop_ids = jax.random.uniform(jax.random.key(42), (batch,)) < _DROPOUT_PROB
    gate = jnp.asarray(train) != 0
    masked = jnp.where(drop_ids & gate, classes - 1, labels.astype(jnp.int32))
    pos = lax.iota(jnp.int32, batch)
    sorted_lab, sorted_pos = lax.sort_key_val(masked, pos)
    pad_i = jnp.full((_LANES,), jnp.int32(2**30))
    sorted_lab = jnp.concatenate([sorted_lab, pad_i])
    sorted_pos = jnp.concatenate([sorted_pos, jnp.zeros((_LANES,), jnp.int32)])
    return _build_sc_gather(batch, hidden, classes)(
        sorted_lab, sorted_pos, table.T)

# --- scband reference (transcript-rebuilt; emitter-appended) ---
"""Pipeline reference for scband-label-embedder-738734375572 (READ-ONLY COPY).

The authoritative reference and input builder live on the scoring server;
editing this copy changes nothing except your own understanding.
"""

import jax, jax.numpy as jnp
import numpy as np

NUM_CLASSES = 1000000
HIDDEN_SIZE = 64
DROPOUT_PROB = 0.1
BATCH = 16384

def setup_inputs(seed: int = 0) -> dict:
    key = jax.random.key(seed)
    k1, k2 = jax.random.split(key)
    labels = jax.random.randint(k1, (BATCH,), 0, NUM_CLASSES, dtype=jnp.int64 if jax.config.jax_enable_x64 else jnp.int32)
    # embedding_table: (num_classes + use_cfg_embedding, hidden_size); use_cfg_embedding=1 since dropout_prob>0
    table = jax.random.normal(k2, (NUM_CLASSES + 1, HIDDEN_SIZE), dtype=jnp.float32) * 0.02
    return {"labels": labels, "table": table, "train": 0}

def reference(labels, table, train):
    # Faithful translation of LabelEmbedder.forward
    if DROPOUT_PROB > 0:
        key = jax.random.key(42)
        drop_ids = jax.random.uniform(key, (labels.shape[0],)) < DROPOUT_PROB
        dropped = jnp.where(drop_ids, NUM_CLASSES, labels)
        labels = jnp.where(train != 0, dropped, labels)
    return jnp.take(table, labels, axis=0)

if __name__ == "__main__":
    import jax
    _d = setup_inputs()
    print(jax.jit(kernel)(*tuple(_d.values())))

</pallas_src>

<mosaic_0001>
#map = affine_map<(d0, d1) -> (0)>
#map1 = affine_map<(d0, d1) -> (0, 0)>
module attributes {stable_mosaic.version = 14 : i64} {
  func.func @k(%arg0: i32, %arg1: i32, %arg2: memref<16400xi32, #tpu.memory_space<hbm>>, %arg3: memref<16400xi32, #tpu.memory_space<hbm>>, %arg4: memref<64x1000001xf32, #tpu.memory_space<hbm>>, %arg5: memref<16384x64xf32, #tpu.memory_space<hbm>>, %arg6: memref<536xi32, #tpu.memory_space<vmem>>, %arg7: memref<528xi32, #tpu.memory_space<vmem>>, %arg8: memref<536xi32, #tpu.memory_space<vmem>>, %arg9: memref<536xi32, #tpu.memory_space<vmem>>, %arg10: memref<3x64x512xf32, #tpu.memory_space<vmem>>, %arg11: memref<64x64xf32, #tpu.memory_space<vmem>>, %arg12: memref<!tpu.dma_semaphore, #tpu.memory_space<semaphore_mem>>, %arg13: memref<!tpu.dma_semaphore, #tpu.memory_space<semaphore_mem>>, %arg14: memref<!tpu.dma_semaphore, #tpu.memory_space<semaphore_mem>>, %arg15: memref<!tpu.dma_semaphore, #tpu.memory_space<semaphore_mem>>) attributes {dimension_semantics = [#tpu.dimension_semantics<core_parallel>, #tpu.dimension_semantics<subcore_parallel>], iteration_bounds = array<i64: 2, 16>, scalar_prefetch = 0 : i64, scratch_operands = 10 : i64, tpu.core_type = #tpu.core_type<sc_vector_subcore>, window_params = [{transform_indices = #map}, {transform_indices = #map}, {transform_indices = #map1}, {transform_indices = #map1}]} {
    %mul3A = arith.constant 2 : i32
    %mul3A_0 = arith.muli %arg1, %mul3A : i32
    %add3A = arith.addi %mul3A_0, %arg0 : i32
    %mul3A_1 = arith.constant 512 : i32
    %mul3A_2 = arith.muli %add3A, %mul3A_1 : i32
    %broadcast_in_dim3A = arith.constant -1 : i32
    %broadcast_in_dim3A_3 = vector.broadcast %broadcast_in_dim3A : i32 to vector<16xi32>
    %swap3A = arith.constant 0 : index
    %swap3A_4 = tpu.vector_load %arg6[%swap3A] {strides = array<i32>} : memref<536xi32, #tpu.memory_space<vmem>>, vector<16xi32>,
    tpu.vector_store %arg6[%swap3A], %broadcast_in_dim3A_3 {strides = array<i32>} : memref<536xi32, #tpu.memory_space<vmem>>, vector<16xi32>,
    "tpu.region"() ({
      %run_scoped3A = tpu.sem_alloc : memref<!tpu.dma_semaphore, #tpu.memory_space<semaphore_mem>>
      %dma_start3A = arith.constant 8 : i32
      %dma_start3A_61 = tpu.memref_slice %arg6[%dma_start3A] : memref<536xi32, #tpu.memory_space<vmem>> -> memref<528xi32, #tpu.memory_space<vmem>>
      %dma_start3A_62 = tpu.memref_slice %arg2[%mul3A_2] : memref<16400xi32, #tpu.memory_space<hbm>> -> memref<528xi32, #tpu.memory_space<hbm>>
      %dma_start3A_63 = arith.constant 8 : i32
      %dma_start3A_64 = tpu.memref_slice %arg6[%dma_start3A_63] : memref<536xi32, #tpu.memory_space<vmem>> -> memref<528xi32, #tpu.memory_space<vmem>>
      %dma_start3A_65 = tpu.memref_slice %arg2[%mul3A_2] : memref<16400xi32, #tpu.memory_space<hbm>> -> memref<528xi32, #tpu.memory_space<hbm>>
      tpu.enqueue_dma source(%dma_start3A_65 : memref<528xi32, #tpu.memory_space<hbm>>) target(%dma_start3A_64 : memref<528xi32, #tpu.memory_space<vmem>>) target_semaphore(%run_scoped3A : memref<!tpu.dma_semaphore, #tpu.memory_space<semaphore_mem>>)
      %dma_wait3A = arith.constant 8 : i32
      %dma_wait3A_66 = tpu.memref_slice %arg6[%dma_wait3A] : memref<536xi32, #tpu.memory_space<vmem>> -> memref<528xi32, #tpu.memory_space<vmem>>
      %dma_wait3A_67 = tpu.memref_slice %arg2[%mul3A_2] : memref<16400xi32, #tpu.memory_space<hbm>> -> memref<528xi32, #tpu.memory_space<hbm>>
      %dma_wait3A_68 = arith.constant 8 : i32
      %dma_wait3A_69 = tpu.memref_slice %arg6[%dma_wait3A_68] : memref<536xi32, #tpu.memory_space<vmem>> -> memref<528xi32, #tpu.memory_space<vmem>>
      %dma_wait3A_70 = tpu.memref_slice %arg2[%mul3A_2] : memref<16400xi32, #tpu.memory_space<hbm>> -> memref<528xi32, #tpu.memory_space<hbm>>
      tpu.wait_dma2 semaphore(%run_scoped3A : memref<!tpu.dma_semaphore, #tpu.memory_space<semaphore_mem>>) src(%dma_wait3A_70 : memref<528xi32, #tpu.memory_space<hbm>>) dst(%dma_wait3A_69 : memref<528xi32, #tpu.memory_space<vmem>>)
      tpu.yield
    }) : () -> ()
    "tpu.region"() ({
      %run_scoped3A = tpu.sem_alloc : memref<!tpu.dma_semaphore, #tpu.memory_space<semaphore_mem>>
      %dma_start3A = tpu.memref_slice %arg3[%mul3A_2] : memref<16400xi32, #tpu.memory_space<hbm>> -> memref<528xi32, #tpu.memory_space<hbm>>
      %dma_start3A_61 = tpu.memref_slice %arg3[%mul3A_2] : memref<16400xi32, #tpu.memory_space<hbm>> -> memref<528xi32, #tpu.memory_space<hbm>>
      tpu.enqueue_dma source(%dma_start3A_61 : memref<528xi32, #tpu.memory_space<hbm>>) target(%arg7 : memref<528xi32, #tpu.memory_space<vmem>>) target_semaphore(%run_scoped3A : memref<!tpu.dma_semaphore, #tpu.memory_space<semaphore_mem>>)
      %dma_wait3A = tpu.memref_slice %arg3[%mul3A_2] : memref<16400xi32, #tpu.memory_space<hbm>> -> memref<528xi32, #tpu.memory_space<hbm>>
      %dma_wait3A_62 = tpu.memref_slice %arg3[%mul3A_2] : memref<16400xi32, #tpu.memory_space<hbm>> -> memref<528xi32, #tpu.memory_space<hbm>>
      tpu.wait_dma2 semaphore(%run_scoped3A : memref<!tpu.dma_semaphore, #tpu.memory_space<semaphore_mem>>) src(%dma_wait3A_62 : memref<528xi32, #tpu.memory_space<hbm>>) dst(%arg7 : memref<528xi32, #tpu.memory_space<vmem>>)
      tpu.yield
    }) : () -> ()
    %iota3A = tpu.iota {dimensions = array<i32: 0>} : vector<16xi32>
    %add3A_5 = arith.constant 0 : i32
    %add3A_6 = vector.broadcast %add3A_5 : i32 to vector<16xi32>
    %add3A_7 = arith.addi %iota3A, %add3A_6 : vector<16xi32>
    %iota3A_8 = tpu.iota {dimensions = array<i32: 0>} : vector<16xi32>
    %add3A_9 = arith.constant 16 : i32
    %add3A_10 = vector.broadcast %add3A_9 : i32 to vector<16xi32>
    %add3A_11 = arith.addi %iota3A_8, %add3A_10 : vector<16xi32>
    %iota3A_12 = tpu.iota {dimensions = array<i32: 0>} : vector<16xi32>
    %add3A_13 = arith.constant 32 : i32
    %add3A_14 = vector.broadcast %add3A_13 : i32 to vector<16xi32>
    %add3A_15 = arith.addi %iota3A_12, %add3A_14 : vector<16xi32>
    %iota3A_16 = tpu.iota {dimensions = array<i32: 0>} : vector<16xi32>
    %add3A_17 = arith.constant 48 : i32
    %add3A_18 = vector.broadcast %add3A_17 : i32 to vector<16xi32>
    %add3A_19 = arith.addi %iota3A_16, %add3A_18 : vector<16xi32>
    %iota3A_20 = tpu.iota {dimensions = array<i32: 0>} : vector<16xi32>
    %scan3A = arith.constant 0 : i32
    %scan3A_21 = arith.constant 0 : i32
    %scan3A_22 = arith.constant 32 : i32
    %scan3A_23 = arith.addi %scan3A_21, %scan3A_22 : i32
    %scan3A_24 = arith.constant 1 : i32
    %scan3A_25 = scf.for %scan3A_61 = %scan3A_21 to %scan3A_23 step %scan3A_24 iter_args(%scan3A_62 = %scan3A) -> (i32)  : i32 {
      %mul3A_63 = arith.constant 16 : i32
      %mul3A_64 = arith.muli %scan3A_61, %mul3A_63 : i32
      %add3A_65 = arith.constant 8 : i32
      %add3A_66 = arith.addi %add3A_65, %mul3A_64 : i32
      %get3A_67 = arith.index_cast %add3A_66 : i32 to index
      %get3A_68 = tpu.vector_load %arg6[%get3A_67] {strides = array<i32>} : memref<536xi32, #tpu.memory_space<vmem>>, vector<16xi32>,
      %mul3A_69 = arith.constant 16 : i32
      %mul3A_70 = arith.muli %scan3A_61, %mul3A_69 : i32
      %add3A_71 = arith.constant 8 : i32
      %add3A_72 = arith.addi %add3A_71, %mul3A_70 : i32
      %sub3A = arith.constant 1 : i32
      %sub3A_73 = arith.subi %add3A_72, %sub3A : i32
      %get3A_74 = arith.index_cast %sub3A_73 : i32 to index
      %get3A_75 = tpu.vector_load %arg6[%get3A_74] {strides = array<i32>} : memref<536xi32, #tpu.memory_space<vmem>>, vector<16xi32>,
      %shift_right_arithmetic3A = arith.constant 9 : i32
      %shift_right_arithmetic3A_76 = vector.broadcast %shift_right_arithmetic3A : i32 to vector<16xi32>
      %shift_right_arithmetic3A_77 = arith.shrsi %get3A_68, %shift_right_arithmetic3A_76 : vector<16xi32>
      %shift_right_arithmetic3A_78 = arith.constant 9 : i32
      %shift_right_arithmetic3A_79 = vector.broadcast %shift_right_arithmetic3A_78 : i32 to vector<16xi32>
      %shift_right_arithmetic3A_80 = arith.shrsi %get3A_75, %shift_right_arithmetic3A_79 : vector<16xi32>
      %ne3A = arith.cmpi ne, %shift_right_arithmetic3A_77, %shift_right_arithmetic3A_80 : vector<16xi32>
      %shift_left3A = arith.constant 9 : i32
      %shift_left3A_81 = vector.broadcast %shift_left3A : i32 to vector<16xi32>
      %shift_left3A_82 = arith.shli %shift_right_arithmetic3A_77, %shift_left3A_81 : vector<16xi32>
      %broadcast_in_dim3A_83 = arith.constant 999552 : i32
      %broadcast_in_dim3A_84 = vector.broadcast %broadcast_in_dim3A_83 : i32 to vector<16xi32>
      %min3A = arith.minsi %shift_left3A_82, %broadcast_in_dim3A_84 : vector<16xi32>
      %swap3A_85 = arith.index_cast %scan3A_62 : i32 to index
      %swap3A_86 = tpu.vector_load %arg8[%swap3A_85] masked %ne3A {strides = array<i32>} : memref<536xi32, #tpu.memory_space<vmem>>, vector<16xi32>, vector<16xi1>
      tpu.vector_store %arg8[%swap3A_85], %min3A masked %ne3A {strides = array<i32>} : memref<536xi32, #tpu.memory_space<vmem>>, vector<16xi32>, vector<16xi1>
      %mul3A_87 = arith.constant 16 : i32
      %mul3A_88 = arith.muli %scan3A_61, %mul3A_87 : i32
      %add3A_89 = vector.broadcast %mul3A_88 : i32 to vector<16xi32>
      %add3A_90 = arith.addi %iota3A_20, %add3A_89 : vector<16xi32>
      %swap3A_91 = arith.index_cast %scan3A_62 : i32 to index
      %swap3A_92 = tpu.vector_load %arg9[%swap3A_91] masked %ne3A {strides = array<i32>} : memref<536xi32, #tpu.memory_space<vmem>>, vector<16xi32>, vector<16xi1>
      tpu.vector_store %arg9[%swap3A_91], %add3A_90 masked %ne3A {strides = array<i32>} : memref<536xi32, #tpu.memory_space<vmem>>, vector<16xi32>, vector<16xi1>
      %all_reduce_population_count3A = tpu.all_reduce %ne3A {dim = 0 : i64, kind = #tpu.reduction_kind<sum>} : vector<16xi1> -> vector<16xi32>
      %slice3A_93 = vector.extract_strided_slice %all_reduce_population_count3A {offsets = [0], sizes = [1], strides = [1]} : vector<16xi32> to vector<1xi32>
      %squeeze3A_94 = vector.extract %slice3A_93[0] : i32 from vector<1xi32>
      %add3A_95 = arith.addi %scan3A_62, %squeeze3A_94 : i32
      scf.yield %add3A_95 : i32
    }
    %scan3A_26 = arith.constant 32 : i32
    %broadcast_in_dim3A_27 = arith.constant 512 : i32
    %broadcast_in_dim3A_28 = vector.broadcast %broadcast_in_dim3A_27 : i32 to vector<16xi32>
    %swap3A_29 = arith.index_cast %scan3A_25 : i32 to index
    %swap3A_30 = tpu.vector_load %arg9[%swap3A_29] {strides = array<i32>} : memref<536xi32, #tpu.memory_space<vmem>>, vector<16xi32>,
    tpu.vector_store %arg9[%swap3A_29], %broadcast_in_dim3A_28 {strides = array<i32>} : memref<536xi32, #tpu.memory_space<vmem>>, vector<16xi32>,
    %rem3A = arith.constant 0 : i32
    %rem3A_31 = arith.constant 3 : i32
    %rem3A_32 = arith.remsi %rem3A, %rem3A_31 : i32
    %get3A = arith.constant 0 : index
    %get3A_33 = tpu.vector_load %arg8[%get3A] {strides = array<i32>} : memref<536xi32, #tpu.memory_space<vmem>>, vector<16xi32>,
    %slice3A = vector.extract_strided_slice %get3A_33 {offsets = [0], sizes = [1], strides = [1]} : vector<16xi32> to vector<1xi32>
    %squeeze3A = vector.extract %slice3A[0] : i32 from vector<1xi32>
    %multiple_of3A = tpu.assume_multiple %squeeze3A, 128 : i32
    %eq3A = arith.constant 0 : i32
    %eq3A_34 = arith.cmpi eq, %rem3A_32, %eq3A : i32
    %convert_element_type3A = arith.extui %eq3A_34 : i1 to i32
    %cond3A = arith.constant 0 : i32
    %cond3A_35 = arith.cmpi ne, %convert_element_type3A, %cond3A : i32
    scf.if %cond3A_35 {
      %dma_start3A = arith.constant 0 : i32
      %dma_start3A_61 = arith.constant 0 : i32
      %dma_start3A_62 = arith.constant 0 : i32
      %dma_start3A_63 = tpu.memref_slice %arg10[%dma_start3A, %dma_start3A_61, %dma_start3A_62] : memref<3x64x512xf32, #tpu.memory_space<vmem>> -> memref<1x64x512xf32, #tpu.memory_space<vmem>>
      %dma_start3A_64 = tpu.memref_squeeze %dma_start3A_63 : memref<1x64x512xf32, #tpu.memory_space<vmem>> -> memref<64x512xf32, #tpu.memory_space<vmem>>
      %dma_start3A_65 = arith.constant 0 : i32
      %dma_start3A_66 = tpu.memref_slice %arg4[%dma_start3A_65, %multiple_of3A] : memref<64x1000001xf32, #tpu.memory_space<hbm>> -> memref<64x512xf32, #tpu.memory_space<hbm>>
      %dma_start3A_67 = arith.constant 0 : i32
      %dma_start3A_68 = arith.constant 0 : i32
      %dma_start3A_69 = tpu.memref_slice %arg10[%dma_start3A, %dma_start3A_67, %dma_start3A_68] : memref<3x64x512xf32, #tpu.memory_space<vmem>> -> memref<1x64x512xf32, #tpu.memory_space<vmem>>
      %dma_start3A_70 = tpu.memref_squeeze %dma_start3A_69 : memref<1x64x512xf32, #tpu.memory_space<vmem>> -> memref<64x512xf32, #tpu.memory_space<vmem>>
      %dma_start3A_71 = arith.constant 0 : i32
      %dma_start3A_72 = tpu.memref_slice %arg4[%dma_start3A_71, %multiple_of3A] : memref<64x1000001xf32, #tpu.memory_space<hbm>> -> memref<64x512xf32, #tpu.memory_space<hbm>>
      tpu.enqueue_dma source(%dma_start3A_72 : memref<64x512xf32, #tpu.memory_space<hbm>>) target(%dma_start3A_70 : memref<64x512xf32, #tpu.memory_space<vmem>>) target_semaphore(%arg12 : memref<!tpu.dma_semaphore, #tpu.memory_space<semaphore_mem>>)
    } else {
    }
    %eq3A_36 = arith.constant 1 : i32
    %eq3A_37 = arith.cmpi eq, %rem3A_32, %eq3A_36 : i32
    %convert_element_type3A_38 = arith.extui %eq3A_37 : i1 to i32
    %cond3A_39 = arith.constant 0 : i32
    %cond3A_40 = arith.cmpi ne, %convert_element_type3A_38, %cond3A_39 : i32
    scf.if %cond3A_40 {
      %dma_start3A = arith.constant 1 : i32
      %dma_start3A_61 = arith.constant 0 : i32
      %dma_start3A_62 = arith.constant 0 : i32
      %dma_start3A_63 = tpu.memref_slice %arg10[%dma_start3A, %dma_start3A_61, %dma_start3A_62] : memref<3x64x512xf32, #tpu.memory_space<vmem>> -> memref<1x64x512xf32, #tpu.memory_space<vmem>>
      %dma_start3A_64 = tpu.memref_squeeze %dma_start3A_63 : memref<1x64x512xf32, #tpu.memory_space<vmem>> -> memref<64x512xf32, #tpu.memory_space<vmem>>
      %dma_start3A_65 = arith.constant 0 : i32
      %dma_start3A_66 = tpu.memref_slice %arg4[%dma_start3A_65, %multiple_of3A] : memref<64x1000001xf32, #tpu.memory_space<hbm>> -> memref<64x512xf32, #tpu.memory_space<hbm>>
      %dma_start3A_67 = arith.constant 0 : i32
      %dma_start3A_68 = arith.constant 0 : i32
      %dma_start3A_69 = tpu.memref_slice %arg10[%dma_start3A, %dma_start3A_67, %dma_start3A_68] : memref<3x64x512xf32, #tpu.memory_space<vmem>> -> memref<1x64x512xf32, #tpu.memory_space<vmem>>
      %dma_start3A_70 = tpu.memref_squeeze %dma_start3A_69 : memref<1x64x512xf32, #tpu.memory_space<vmem>> -> memref<64x512xf32, #tpu.memory_space<vmem>>
      %dma_start3A_71 = arith.constant 0 : i32
      %dma_start3A_72 = tpu.memref_slice %arg4[%dma_start3A_71, %multiple_of3A] : memref<64x1000001xf32, #tpu.memory_space<hbm>> -> memref<64x512xf32, #tpu.memory_space<hbm>>
      tpu.enqueue_dma source(%dma_start3A_72 : memref<64x512xf32, #tpu.memory_space<hbm>>) target(%dma_start3A_70 : memref<64x512xf32, #tpu.memory_space<vmem>>) target_semaphore(%arg13 : memref<!tpu.dma_semaphore, #tpu.memory_space<semaphore_mem>>)
    } else {
    }
    %eq3A_41 = arith.constant 2 : i32
    %eq3A_42 = arith.cmpi eq, %rem3A_32, %eq3A_41 : i32
    %convert_element_type3A_43 = arith.extui %eq3A_42 : i1 to i32
    %cond3A_44 = arith.constant 0 : i32
    %cond3A_45 = arith.cmpi ne, %convert_element_type3A_43, %cond3A_44 : i32
    scf.if %cond3A_45 {
      %dma_start3A = arith.constant 2 : i32
      %dma_start3A_61 = arith.constant 0 : i32
      %dma_start3A_62 = arith.constant 0 : i32
      %dma_start3A_63 = tpu.memref_slice %arg10[%dma_start3A, %dma_start3A_61, %dma_start3A_62] : memref<3x64x512xf32, #tpu.memory_space<vmem>> -> memref<1x64x512xf32, #tpu.memory_space<vmem>>
      %dma_start3A_64 = tpu.memref_squeeze %dma_start3A_63 : memref<1x64x512xf32, #tpu.memory_space<vmem>> -> memref<64x512xf32, #tpu.memory_space<vmem>>
      %dma_start3A_65 = arith.constant 0 : i32
      %dma_start3A_66 = tpu.memref_slice %arg4[%dma_start3A_65, %multiple_of3A] : memref<64x1000001xf32, #tpu.memory_space<hbm>> -> memref<64x512xf32, #tpu.memory_space<hbm>>
      %dma_start3A_67 = arith.constant 0 : i32
      %dma_start3A_68 = arith.constant 0 : i32
      %dma_start3A_69 = tpu.memref_slice %arg10[%dma_start3A, %dma_start3A_67, %dma_start3A_68] : memref<3x64x512xf32, #tpu.memory_space<vmem>> -> memref<1x64x512xf32, #tpu.memory_space<vmem>>
      %dma_start3A_70 = tpu.memref_squeeze %dma_start3A_69 : memref<1x64x512xf32, #tpu.memory_space<vmem>> -> memref<64x512xf32, #tpu.memory_space<vmem>>
      %dma_start3A_71 = arith.constant 0 : i32
      %dma_start3A_72 = tpu.memref_slice %arg4[%dma_start3A_71, %multiple_of3A] : memref<64x1000001xf32, #tpu.memory_space<hbm>> -> memref<64x512xf32, #tpu.memory_space<hbm>>
      tpu.enqueue_dma source(%dma_start3A_72 : memref<64x512xf32, #tpu.memory_space<hbm>>) target(%dma_start3A_70 : memref<64x512xf32, #tpu.memory_space<vmem>>) target_semaphore(%arg14 : memref<!tpu.dma_semaphore, #tpu.memory_space<semaphore_mem>>)
    } else {
    }
    %gt3A = arith.constant 1 : i32
    %gt3A_46 = arith.cmpi sgt, %scan3A_25, %gt3A : i32
    %convert_element_type3A_47 = arith.extui %gt3A_46 : i1 to i32
    %cond3A_48 = arith.constant 0 : i32
    %cond3A_49 = arith.cmpi ne, %convert_element_type3A_47, %cond3A_48 : i32
    scf.if %cond3A_49 {
      %rem3A_61 = arith.constant 1 : i32
      %rem3A_62 = arith.constant 3 : i32
      %rem3A_63 = arith.remsi %rem3A_61, %rem3A_62 : i32
      %get3A_64 = arith.constant 1 : index
      %get3A_65 = tpu.vector_load %arg8[%get3A_64] {strides = array<i32>} : memref<536xi32, #tpu.memory_space<vmem>>, vector<16xi32>,
      %slice3A_66 = vector.extract_strided_slice %get3A_65 {offsets = [0], sizes = [1], strides = [1]} : vector<16xi32> to vector<1xi32>
      %squeeze3A_67 = vector.extract %slice3A_66[0] : i32 from vector<1xi32>
      %multiple_of3A_68 = tpu.assume_multiple %squeeze3A_67, 128 : i32
      %eq3A_69 = arith.constant 0 : i32
      %eq3A_70 = arith.cmpi eq, %rem3A_63, %eq3A_69 : i32
      %convert_element_type3A_71 = arith.extui %eq3A_70 : i1 to i32
      %cond3A_72 = arith.constant 0 : i32
      %cond3A_73 = arith.cmpi ne, %convert_element_type3A_71, %cond3A_72 : i32
      scf.if %cond3A_73 {
        %dma_start3A = arith.constant 0 : i32
        %dma_start3A_84 = arith.constant 0 : i32
        %dma_start3A_85 = arith.constant 0 : i32
        %dma_start3A_86 = tpu.memref_slice %arg10[%dma_start3A, %dma_start3A_84, %dma_start3A_85] : memref<3x64x512xf32, #tpu.memory_space<vmem>> -> memref<1x64x512xf32, #tpu.memory_space<vmem>>
        %dma_start3A_87 = tpu.memref_squeeze %dma_start3A_86 : memref<1x64x512xf32, #tpu.memory_space<vmem>> -> memref<64x512xf32, #tpu.memory_space<vmem>>
        %dma_start3A_88 = arith.constant 0 : i32
        %dma_start3A_89 = tpu.memref_slice %arg4[%dma_start3A_88, %multiple_of3A_68] : memref<64x1000001xf32, #tpu.memory_space<hbm>> -> memref<64x512xf32, #tpu.memory_space<hbm>>
        %dma_start3A_90 = arith.constant 0 : i32
        %dma_start3A_91 = arith.constant 0 : i32
        %dma_start3A_92 = tpu.memref_slice %arg10[%dma_start3A, %dma_start3A_90, %dma_start3A_91] : memref<3x64x512xf32, #tpu.memory_space<vmem>> -> memref<1x64x512xf32, #tpu.memory_space<vmem>>
        %dma_start3A_93 = tpu.memref_squeeze %dma_start3A_92 : memref<1x64x512xf32, #tpu.memory_space<vmem>> -> memref<64x512xf32, #tpu.memory_space<vmem>>
        %dma_start3A_94 = arith.constant 0 : i32
        %dma_start3A_95 = tpu.memref_slice %arg4[%dma_start3A_94, %multiple_of3A_68] : memref<64x1000001xf32, #tpu.memory_space<hbm>> -> memref<64x512xf32, #tpu.memory_space<hbm>>
        tpu.enqueue_dma source(%dma_start3A_95 : memref<64x512xf32, #tpu.memory_space<hbm>>) target(%dma_start3A_93 : memref<64x512xf32, #tpu.memory_space<vmem>>) target_semaphore(%arg12 : memref<!tpu.dma_semaphore, #tpu.memory_space<semaphore_mem>>)
      } else {
      }
      %eq3A_74 = arith.constant 1 : i32
      %eq3A_75 = arith.cmpi eq, %rem3A_63, %eq3A_74 : i32
      %convert_element_type3A_76 = arith.extui %eq3A_75 : i1 to i32
      %cond3A_77 = arith.constant 0 : i32
      %cond3A_78 = arith.cmpi ne, %convert_element_type3A_76, %cond3A_77 : i32
      scf.if %cond3A_78 {
        %dma_start3A = arith.constant 1 : i32
        %dma_start3A_84 = arith.constant 0 : i32
        %dma_start3A_85 = arith.constant 0 : i32
        %dma_start3A_86 = tpu.memref_slice %arg10[%dma_start3A, %dma_start3A_84, %dma_start3A_85] : memref<3x64x512xf32, #tpu.memory_space<vmem>> -> memref<1x64x512xf32, #tpu.memory_space<vmem>>
        %dma_start3A_87 = tpu.memref_squeeze %dma_start3A_86 : memref<1x64x512xf32, #tpu.memory_space<vmem>> -> memref<64x512xf32, #tpu.memory_space<vmem>>
        %dma_start3A_88 = arith.constant 0 : i32
        %dma_start3A_89 = tpu.memref_slice %arg4[%dma_start3A_88, %multiple_of3A_68] : memref<64x1000001xf32, #tpu.memory_space<hbm>> -> memref<64x512xf32, #tpu.memory_space<hbm>>
        %dma_start3A_90 = arith.constant 0 : i32
        %dma_start3A_91 = arith.constant 0 : i32
        %dma_start3A_92 = tpu.memref_slice %arg10[%dma_start3A, %dma_start3A_90, %dma_start3A_91] : memref<3x64x512xf32, #tpu.memory_space<vmem>> -> memref<1x64x512xf32, #tpu.memory_space<vmem>>
        %dma_start3A_93 = tpu.memref_squeeze %dma_start3A_92 : memref<1x64x512xf32, #tpu.memory_space<vmem>> -> memref<64x512xf32, #tpu.memory_space<vmem>>
        %dma_start3A_94 = arith.constant 0 : i32
        %dma_start3A_95 = tpu.memref_slice %arg4[%dma_start3A_94, %multiple_of3A_68] : memref<64x1000001xf32, #tpu.memory_space<hbm>> -> memref<64x512xf32, #tpu.memory_space<hbm>>
        tpu.enqueue_dma source(%dma_start3A_95 : memref<64x512xf32, #tpu.memory_space<hbm>>) target(%dma_start3A_93 : memref<64x512xf32, #tpu.memory_space<vmem>>) target_semaphore(%arg13 : memref<!tpu.dma_semaphore, #tpu.memory_space<semaphore_mem>>)
      } else {
      }
      %eq3A_79 = arith.constant 2 : i32
      %eq3A_80 = arith.cmpi eq, %rem3A_63, %eq3A_79 : i32
      %convert_element_type3A_81 = arith.extui %eq3A_80 : i1 to i32
      %cond3A_82 = arith.constant 0 : i32
      %cond3A_83 = arith.cmpi ne, %convert_element_type3A_81, %cond3A_82 : i32
      scf.if %cond3A_83 {
        %dma_start3A = arith.constant 2 : i32
        %dma_start3A_84 = arith.constant 0 : i32
        %dma_start3A_85 = arith.constant 0 : i32
        %dma_start3A_86 = tpu.memref_slice %arg10[%dma_start3A, %dma_start3A_84, %dma_start3A_85] : memref<3x64x512xf32, #tpu.memory_space<vmem>> -> memref<1x64x512xf32, #tpu.memory_space<vmem>>
        %dma_start3A_87 = tpu.memref_squeeze %dma_start3A_86 : memref<1x64x512xf32, #tpu.memory_space<vmem>> -> memref<64x512xf32, #tpu.memory_space<vmem>>
        %dma_start3A_88 = arith.constant 0 : i32
        %dma_start3A_89 = tpu.memref_slice %arg4[%dma_start3A_88, %multiple_of3A_68] : memref<64x1000001xf32, #tpu.memory_space<hbm>> -> memref<64x512xf32, #tpu.memory_space<hbm>>
        %dma_start3A_90 = arith.constant 0 : i32
        %dma_start3A_91 = arith.constant 0 : i32
        %dma_start3A_92 = tpu.memref_slice %arg10[%dma_start3A, %dma_start3A_90, %dma_start3A_91] : memref<3x64x512xf32, #tpu.memory_space<vmem>> -> memref<1x64x512xf32, #tpu.memory_space<vmem>>
        %dma_start3A_93 = tpu.memref_squeeze %dma_start3A_92 : memref<1x64x512xf32, #tpu.memory_space<vmem>> -> memref<64x512xf32, #tpu.memory_space<vmem>>
        %dma_start3A_94 = arith.constant 0 : i32
        %dma_start3A_95 = tpu.memref_slice %arg4[%dma_start3A_94, %multiple_of3A_68] : memref<64x1000001xf32, #tpu.memory_space<hbm>> -> memref<64x512xf32, #tpu.memory_space<hbm>>
        tpu.enqueue_dma source(%dma_start3A_95 : memref<64x512xf32, #tpu.memory_space<hbm>>) target(%dma_start3A_93 : memref<64x512xf32, #tpu.memory_space<vmem>>) target_semaphore(%arg14 : memref<!tpu.dma_semaphore, #tpu.memory_space<semaphore_mem>>)
      } else {
      }
    } else {
    }
    %while3A = arith.constant 0 : i32
    %while3A_50 = arith.constant 0 : i32
    %while3A_51 = arith.subi %scan3A_25, %while3A : i32
    %while3A_52 = arith.addi %while3A, %while3A_51 : i32
    %while3A_53 = arith.constant 1 : i32
    %while3A_54 = arith.divsi %while3A_51, %while3A_53 : i32
    %while3A_55 = arith.muli %while3A_54, %while3A_53 : i32
    %while3A_56 = arith.addi %while3A, %while3A_55 : i32
    %while3A_57 = arith.constant 1 : i32
    %while3A_58 = scf.for %while3A_61 = %while3A to %while3A_56 step %while3A_57 iter_args(%while3A_62 = %while3A_50) -> (i32)  : i32 {
      %rem3A_63 = arith.constant 3 : i32
      %rem3A_64 = arith.remsi %while3A_61, %rem3A_63 : i32
      %eq3A_65 = arith.constant 0 : i32
      %eq3A_66 = arith.cmpi eq, %rem3A_64, %eq3A_65 : i32
      %convert_element_type3A_67 = arith.extui %eq3A_66 : i1 to i32
      %cond3A_68 = arith.constant 0 : i32
      %cond3A_69 = arith.cmpi ne, %convert_element_type3A_67, %cond3A_68 : i32
      scf.if %cond3A_69 {
        %dma_wait3A = arith.constant 0 : i32
        %dma_wait3A_112 = arith.constant 0 : i32
        %dma_wait3A_113 = arith.constant 0 : i32
        %dma_wait3A_114 = tpu.memref_slice %arg10[%dma_wait3A, %dma_wait3A_112, %dma_wait3A_113] : memref<3x64x512xf32, #tpu.memory_space<vmem>> -> memref<1x64x512xf32, #tpu.memory_space<vmem>>
        %dma_wait3A_115 = tpu.memref_squeeze %dma_wait3A_114 : memref<1x64x512xf32, #tpu.memory_space<vmem>> -> memref<64x512xf32, #tpu.memory_space<vmem>>
        %dma_wait3A_116 = arith.constant 0 : i32
        %dma_wait3A_117 = arith.constant 0 : i32
        %dma_wait3A_118 = tpu.memref_slice %arg4[%dma_wait3A_116, %dma_wait3A_117] : memref<64x1000001xf32, #tpu.memory_space<hbm>> -> memref<64x512xf32, #tpu.memory_space<hbm>>
        %dma_wait3A_119 = arith.constant 0 : i32
        %dma_wait3A_120 = arith.constant 0 : i32
        %dma_wait3A_121 = tpu.memref_slice %arg10[%dma_wait3A, %dma_wait3A_119, %dma_wait3A_120] : memref<3x64x512xf32, #tpu.memory_space<vmem>> -> memref<1x64x512xf32, #tpu.memory_space<vmem>>
        %dma_wait3A_122 = tpu.memref_squeeze %dma_wait3A_121 : memref<1x64x512xf32, #tpu.memory_space<vmem>> -> memref<64x512xf32, #tpu.memory_space<vmem>>
        %dma_wait3A_123 = arith.constant 0 : i32
        %dma_wait3A_124 = arith.constant 0 : i32
        %dma_wait3A_125 = tpu.memref_slice %arg4[%dma_wait3A_123, %dma_wait3A_124] : memref<64x1000001xf32, #tpu.memory_space<hbm>> -> memref<64x512xf32, #tpu.memory_space<hbm>>
        tpu.wait_dma2 semaphore(%arg12 : memref<!tpu.dma_semaphore, #tpu.memory_space<semaphore_mem>>) src(%dma_wait3A_125 : memref<64x512xf32, #tpu.memory_space<hbm>>) dst(%dma_wait3A_122 : memref<64x512xf32, #tpu.memory_space<vmem>>)
      } else {
      }
      %eq3A_70 = arith.constant 1 : i32
      %eq3A_71 = arith.cmpi eq, %rem3A_64, %eq3A_70 : i32
      %convert_element_type3A_72 = arith.extui %eq3A_71 : i1 to i32
      %cond3A_73 = arith.constant 0 : i32
      %cond3A_74 = arith.cmpi ne, %convert_element_type3A_72, %cond3A_73 : i32
      scf.if %cond3A_74 {
        %dma_wait3A = arith.constant 1 : i32
        %dma_wait3A_112 = arith.constant 0 : i32
        %dma_wait3A_113 = arith.constant 0 : i32
        %dma_wait3A_114 = tpu.memref_slice %arg10[%dma_wait3A, %dma_wait3A_112, %dma_wait3A_113] : memref<3x64x512xf32, #tpu.memory_space<vmem>> -> memref<1x64x512xf32, #tpu.memory_space<vmem>>
        %dma_wait3A_115 = tpu.memref_squeeze %dma_wait3A_114 : memref<1x64x512xf32, #tpu.memory_space<vmem>> -> memref<64x512xf32, #tpu.memory_space<vmem>>
        %dma_wait3A_116 = arith.constant 0 : i32
        %dma_wait3A_117 = arith.constant 0 : i32
        %dma_wait3A_118 = tpu.memref_slice %arg4[%dma_wait3A_116, %dma_wait3A_117] : memref<64x1000001xf32, #tpu.memory_space<hbm>> -> memref<64x512xf32, #tpu.memory_space<hbm>>
        %dma_wait3A_119 = arith.constant 0 : i32
        %dma_wait3A_120 = arith.constant 0 : i32
        %dma_wait3A_121 = tpu.memref_slice %arg10[%dma_wait3A, %dma_wait3A_119, %dma_wait3A_120] : memref<3x64x512xf32, #tpu.memory_space<vmem>> -> memref<1x64x512xf32, #tpu.memory_space<vmem>>
        %dma_wait3A_122 = tpu.memref_squeeze %dma_wait3A_121 : memref<1x64x512xf32, #tpu.memory_space<vmem>> -> memref<64x512xf32, #tpu.memory_space<vmem>>
        %dma_wait3A_123 = arith.constant 0 : i32
        %dma_wait3A_124 = arith.constant 0 : i32
        %dma_wait3A_125 = tpu.memref_slice %arg4[%dma_wait3A_123, %dma_wait3A_124] : memref<64x1000001xf32, #tpu.memory_space<hbm>> -> memref<64x512xf32, #tpu.memory_space<hbm>>
        tpu.wait_dma2 semaphore(%arg13 : memref<!tpu.dma_semaphore, #tpu.memory_space<semaphore_mem>>) src(%dma_wait3A_125 : memref<64x512xf32, #tpu.memory_space<hbm>>) dst(%dma_wait3A_122 : memref<64x512xf32, #tpu.memory_space<vmem>>)
      } else {
      }
      %eq3A_75 = arith.constant 2 : i32
      %eq3A_76 = arith.cmpi eq, %rem3A_64, %eq3A_75 : i32
      %convert_element_type3A_77 = arith.extui %eq3A_76 : i1 to i32
      %cond3A_78 = arith.constant 0 : i32
      %cond3A_79 = arith.cmpi ne, %convert_element_type3A_77, %cond3A_78 : i32
      scf.if %cond3A_79 {
        %dma_wait3A = arith.constant 2 : i32
        %dma_wait3A_112 = arith.constant 0 : i32
        %dma_wait3A_113 = arith.constant 0 : i32
        %dma_wait3A_114 = tpu.memref_slice %arg10[%dma_wait3A, %dma_wait3A_112, %dma_wait3A_113] : memref<3x64x512xf32, #tpu.memory_space<vmem>> -> memref<1x64x512xf32, #tpu.memory_space<vmem>>
        %dma_wait3A_115 = tpu.memref_squeeze %dma_wait3A_114 : memref<1x64x512xf32, #tpu.memory_space<vmem>> -> memref<64x512xf32, #tpu.memory_space<vmem>>
        %dma_wait3A_116 = arith.constant 0 : i32
        %dma_wait3A_117 = arith.constant 0 : i32
        %dma_wait3A_118 = tpu.memref_slice %arg4[%dma_wait3A_116, %dma_wait3A_117] : memref<64x1000001xf32, #tpu.memory_space<hbm>> -> memref<64x512xf32, #tpu.memory_space<hbm>>
        %dma_wait3A_119 = arith.constant 0 : i32
        %dma_wait3A_120 = arith.constant 0 : i32
        %dma_wait3A_121 = tpu.memref_slice %arg10[%dma_wait3A, %dma_wait3A_119, %dma_wait3A_120] : memref<3x64x512xf32, #tpu.memory_space<vmem>> -> memref<1x64x512xf32, #tpu.memory_space<vmem>>
        %dma_wait3A_122 = tpu.memref_squeeze %dma_wait3A_121 : memref<1x64x512xf32, #tpu.memory_space<vmem>> -> memref<64x512xf32, #tpu.memory_space<vmem>>
        %dma_wait3A_123 = arith.constant 0 : i32
        %dma_wait3A_124 = arith.constant 0 : i32
        %dma_wait3A_125 = tpu.memref_slice %arg4[%dma_wait3A_123, %dma_wait3A_124] : memref<64x1000001xf32, #tpu.memory_space<hbm>> -> memref<64x512xf32, #tpu.memory_space<hbm>>
        tpu.wait_dma2 semaphore(%arg14 : memref<!tpu.dma_semaphore, #tpu.memory_space<semaphore_mem>>) src(%dma_wait3A_125 : memref<64x512xf32, #tpu.memory_space<hbm>>) dst(%dma_wait3A_122 : memref<64x512xf32, #tpu.memory_space<vmem>>)
      } else {
      }
      %add3A_80 = arith.constant 2 : i32
      %add3A_81 = arith.addi %while3A_61, %add3A_80 : i32
      %lt3A = arith.cmpi slt, %add3A_81, %scan3A_25 : i32
      %convert_element_type3A_82 = arith.extui %lt3A : i1 to i32
      %cond3A_83 = arith.constant 0 : i32
      %cond3A_84 = arith.cmpi ne, %convert_element_type3A_82, %cond3A_83 : i32
      scf.if %cond3A_84 {
        %add3A_112 = arith.constant 2 : i32
        %add3A_113 = arith.addi %while3A_61, %add3A_112 : i32
        %rem3A_114 = arith.constant 3 : i32
        %rem3A_115 = arith.remsi %add3A_113, %rem3A_114 : i32
        %get3A_116 = arith.index_cast %add3A_113 : i32 to index
        %get3A_117 = tpu.vector_load %arg8[%get3A_116] {strides = array<i32>} : memref<536xi32, #tpu.memory_space<vmem>>, vector<16xi32>,
        %slice3A_118 = vector.extract_strided_slice %get3A_117 {offsets = [0], sizes = [1], strides = [1]} : vector<16xi32> to vector<1xi32>
        %squeeze3A_119 = vector.extract %slice3A_118[0] : i32 from vector<1xi32>
        %multiple_of3A_120 = tpu.assume_multiple %squeeze3A_119, 128 : i32
        %eq3A_121 = arith.constant 0 : i32
        %eq3A_122 = arith.cmpi eq, %rem3A_115, %eq3A_121 : i32
        %convert_element_type3A_123 = arith.extui %eq3A_122 : i1 to i32
        %cond3A_124 = arith.constant 0 : i32
        %cond3A_125 = arith.cmpi ne, %convert_element_type3A_123, %cond3A_124 : i32
        scf.if %cond3A_125 {
          %dma_start3A = arith.constant 0 : i32
          %dma_start3A_136 = arith.constant 0 : i32
          %dma_start3A_137 = arith.constant 0 : i32
          %dma_start3A_138 = tpu.memref_slice %arg10[%dma_start3A, %dma_start3A_136, %dma_start3A_137] : memref<3x64x512xf32, #tpu.memory_space<vmem>> -> memref<1x64x512xf32, #tpu.memory_space<vmem>>
          %dma_start3A_139 = tpu.memref_squeeze %dma_start3A_138 : memref<1x64x512xf32, #tpu.memory_space<vmem>> -> memref<64x512xf32, #tpu.memory_space<vmem>>
          %dma_start3A_140 = arith.constant 0 : i32
          %dma_start3A_141 = tpu.memref_slice %arg4[%dma_start3A_140, %multiple_of3A_120] : memref<64x1000001xf32, #tpu.memory_space<hbm>> -> memref<64x512xf32, #tpu.memory_space<hbm>>
          %dma_start3A_142 = arith.constant 0 : i32
          %dma_start3A_143 = arith.constant 0 : i32
          %dma_start3A_144 = tpu.memref_slice %arg10[%dma_start3A, %dma_start3A_142, %dma_start3A_143] : memref<3x64x512xf32, #tpu.memory_space<vmem>> -> memref<1x64x512xf32, #tpu.memory_space<vmem>>
          %dma_start3A_145 = tpu.memref_squeeze %dma_start3A_144 : memref<1x64x512xf32, #tpu.memory_space<vmem>> -> memref<64x512xf32, #tpu.memory_space<vmem>>
          %dma_start3A_146 = arith.constant 0 : i32
          %dma_start3A_147 = tpu.memref_slice %arg4[%dma_start3A_146, %multiple_of3A_120] : memref<64x1000001xf32, #tpu.memory_space<hbm>> -> memref<64x512xf32, #tpu.memory_space<hbm>>
          tpu.enqueue_dma source(%dma_start3A_147 : memref<64x512xf32, #tpu.memory_space<hbm>>) target(%dma_start3A_145 : memref<64x512xf32, #tpu.memory_space<vmem>>) target_semaphore(%arg12 : memref<!tpu.dma_semaphore, #tpu.memory_space<semaphore_mem>>)
        } else {
        }
        %eq3A_126 = arith.constant 1 : i32
        %eq3A_127 = arith.cmpi eq, %rem3A_115, %eq3A_126 : i32
        %convert_element_type3A_128 = arith.extui %eq3A_127 : i1 to i32
        %cond3A_129 = arith.constant 0 : i32
        %cond3A_130 = arith.cmpi ne, %convert_element_type3A_128, %cond3A_129 : i32
        scf.if %cond3A_130 {
          %dma_start3A = arith.constant 1 : i32
          %dma_start3A_136 = arith.constant 0 : i32
          %dma_start3A_137 = arith.constant 0 : i32
          %dma_start3A_138 = tpu.memref_slice %arg10[%dma_start3A, %dma_start3A_136, %dma_start3A_137] : memref<3x64x512xf32, #tpu.memory_space<vmem>> -> memref<1x64x512xf32, #tpu.memory_space<vmem>>
          %dma_start3A_139 = tpu.memref_squeeze %dma_start3A_138 : memref<1x64x512xf32, #tpu.memory_space<vmem>> -> memref<64x512xf32, #tpu.memory_space<vmem>>
          %dma_start3A_140 = arith.constant 0 : i32
          %dma_start3A_141 = tpu.memref_slice %arg4[%dma_start3A_140, %multiple_of3A_120] : memref<64x1000001xf32, #tpu.memory_space<hbm>> -> memref<64x512xf32, #tpu.memory_space<hbm>>
          %dma_start3A_142 = arith.constant 0 : i32
          %dma_start3A_143 = arith.constant 0 : i32
          %dma_start3A_144 = tpu.memref_slice %arg10[%dma_start3A, %dma_start3A_142, %dma_start3A_143] : memref<3x64x512xf32, #tpu.memory_space<vmem>> -> memref<1x64x512xf32, #tpu.memory_space<vmem>>
          %dma_start3A_145 = tpu.memref_squeeze %dma_start3A_144 : memref<1x64x512xf32, #tpu.memory_space<vmem>> -> memref<64x512xf32, #tpu.memory_space<vmem>>
          %dma_start3A_146 = arith.constant 0 : i32
          %dma_start3A_147 = tpu.memref_slice %arg4[%dma_start3A_146, %multiple_of3A_120] : memref<64x1000001xf32, #tpu.memory_space<hbm>> -> memref<64x512xf32, #tpu.memory_space<hbm>>
          tpu.enqueue_dma source(%dma_start3A_147 : memref<64x512xf32, #tpu.memory_space<hbm>>) target(%dma_start3A_145 : memref<64x512xf32, #tpu.memory_space<vmem>>) target_semaphore(%arg13 : memref<!tpu.dma_semaphore, #tpu.memory_space<semaphore_mem>>)
        } else {
        }
        %eq3A_131 = arith.constant 2 : i32
        %eq3A_132 = arith.cmpi eq, %rem3A_115, %eq3A_131 : i32
        %convert_element_type3A_133 = arith.extui %eq3A_132 : i1 to i32
        %cond3A_134 = arith.constant 0 : i32
        %cond3A_135 = arith.cmpi ne, %convert_element_type3A_133, %cond3A_134 : i32
        scf.if %cond3A_135 {
          %dma_start3A = arith.constant 2 : i32
          %dma_start3A_136 = arith.constant 0 : i32
          %dma_start3A_137 = arith.constant 0 : i32
          %dma_start3A_138 = tpu.memref_slice %arg10[%dma_start3A, %dma_start3A_136, %dma_start3A_137] : memref<3x64x512xf32, #tpu.memory_space<vmem>> -> memref<1x64x512xf32, #tpu.memory_space<vmem>>
          %dma_start3A_139 = tpu.memref_squeeze %dma_start3A_138 : memref<1x64x512xf32, #tpu.memory_space<vmem>> -> memref<64x512xf32, #tpu.memory_space<vmem>>
          %dma_start3A_140 = arith.constant 0 : i32
          %dma_start3A_141 = tpu.memref_slice %arg4[%dma_start3A_140, %multiple_of3A_120] : memref<64x1000001xf32, #tpu.memory_space<hbm>> -> memref<64x512xf32, #tpu.memory_space<hbm>>
          %dma_start3A_142 = arith.constant 0 : i32
          %dma_start3A_143 = arith.constant 0 : i32
          %dma_start3A_144 = tpu.memref_slice %arg10[%dma_start3A, %dma_start3A_142, %dma_start3A_143] : memref<3x64x512xf32, #tpu.memory_space<vmem>> -> memref<1x64x512xf32, #tpu.memory_space<vmem>>
          %dma_start3A_145 = tpu.memref_squeeze %dma_start3A_144 : memref<1x64x512xf32, #tpu.memory_space<vmem>> -> memref<64x512xf32, #tpu.memory_space<vmem>>
          %dma_start3A_146 = arith.constant 0 : i32
          %dma_start3A_147 = tpu.memref_slice %arg4[%dma_start3A_146, %multiple_of3A_120] : memref<64x1000001xf32, #tpu.memory_space<hbm>> -> memref<64x512xf32, #tpu.memory_space<hbm>>
          tpu.enqueue_dma source(%dma_start3A_147 : memref<64x512xf32, #tpu.memory_space<hbm>>) target(%dma_start3A_145 : memref<64x512xf32, #tpu.memory_space<vmem>>) target_semaphore(%arg14 : memref<!tpu.dma_semaphore, #tpu.memory_space<semaphore_mem>>)
        } else {
        }
      } else {
      }
      %get3A_85 = arith.index_cast %while3A_61 : i32 to index
      %get3A_86 = tpu.vector_load %arg8[%get3A_85] {strides = array<i32>} : memref<536xi32, #tpu.memory_space<vmem>>, vector<16xi32>,
      %slice3A_87 = vector.extract_strided_slice %get3A_86 {offsets = [0], sizes = [1], strides = [1]} : vector<16xi32> to vector<1xi32>
      %squeeze3A_88 = vector.extract %slice3A_87[0] : i32 from vector<1xi32>
      %get3A_89 = arith.index_cast %while3A_61 : i32 to index
      %get3A_90 = tpu.vector_load %arg9[%get3A_89] {strides = array<i32>} : memref<536xi32, #tpu.memory_space<vmem>>, vector<16xi32>,
      %slice3A_91 = vector.extract_strided_slice %get3A_90 {offsets = [0], sizes = [1], strides = [1]} : vector<16xi32> to vector<1xi32>
      %squeeze3A_92 = vector.extract %slice3A_91[0] : i32 from vector<1xi32>
      %add3A_93 = arith.constant 1 : i32
      %add3A_94 = arith.addi %while3A_61, %add3A_93 : i32
      %get3A_95 = arith.index_cast %add3A_94 : i32 to index
      %get3A_96 = tpu.vector_load %arg9[%get3A_95] {strides = array<i32>} : memref<536xi32, #tpu.memory_space<vmem>>, vector<16xi32>,
      %slice3A_97 = vector.extract_strided_slice %get3A_96 {offsets = [0], sizes = [1], strides = [1]} : vector<16xi32> to vector<1xi32>
      %squeeze3A_98 = vector.extract %slice3A_97[0] : i32 from vector<1xi32>
      %broadcast_in_dim3A_99 = vector.broadcast %rem3A_64 : i32 to vector<16xi32>
      %while3A_100 = arith.constant 0 : i32
      %while3A_101 = arith.subi %squeeze3A_98, %squeeze3A_92 : i32
      %while3A_102 = arith.addi %squeeze3A_92, %while3A_101 : i32
      %while3A_103 = arith.constant 1 : i32
      %while3A_104 = arith.divsi %while3A_101, %while3A_103 : i32
      %while3A_105 = arith.muli %while3A_104, %while3A_103 : i32
      %while3A_106 = arith.addi %squeeze3A_92, %while3A_105 : i32
      %while3A_107 = arith.constant 1 : i32
      %while3A_108 = scf.for %while3A_112 = %squeeze3A_92 to %while3A_106 step %while3A_107 iter_args(%while3A_113 = %while3A_100) -> (i32)  : i32 {
        %add3A_114 = arith.constant 8 : i32
        %add3A_115 = arith.addi %add3A_114, %while3A_112 : i32
        %get3A_116 = arith.index_cast %add3A_115 : i32 to index
        %get3A_117 = tpu.vector_load %arg6[%get3A_116] {strides = array<i32>} : memref<536xi32, #tpu.memory_space<vmem>>, vector<16xi32>,
        %slice3A_118 = vector.extract_strided_slice %get3A_117 {offsets = [0], sizes = [1], strides = [1]} : vector<16xi32> to vector<1xi32>
        %squeeze3A_119 = vector.extract %slice3A_118[0] : i32 from vector<1xi32>
        %sub3A = arith.subi %squeeze3A_119, %squeeze3A_88 : i32
        %broadcast_in_dim3A_120 = vector.broadcast %sub3A : i32 to vector<16xi32>
        %rem3A_121 = arith.constant 64 : i32
        %rem3A_122 = arith.remsi %while3A_112, %rem3A_121 : i32
        %gather3A = tpu.vector_load_idx %arg10[%broadcast_in_dim3A_99, %add3A_7, %broadcast_in_dim3A_120] : memref<3x64x512xf32, #tpu.memory_space<vmem>>[vector<16xi32>, vector<16xi32>, vector<16xi32>], vector<16xf32>,
        %swap3A_123 = arith.index_cast %rem3A_122 : i32 to index
        %swap3A_124 = arith.constant 0 : index
        %swap3A_125 = tpu.vector_load %arg11[%swap3A_123, %swap3A_124] {strides = array<i32>} : memref<64x64xf32, #tpu.memory_space<vmem>>, vector<16xf32>,
        tpu.vector_store %arg11[%swap3A_123, %swap3A_124], %gather3A {strides = array<i32>} : memref<64x64xf32, #tpu.memory_space<vmem>>, vector<16xf32>,
        %gather3A_126 = tpu.vector_load_idx %arg10[%broadcast_in_dim3A_99, %add3A_11, %broadcast_in_dim3A_120] : memref<3x64x512xf32, #tpu.memory_space<vmem>>[vector<16xi32>, vector<16xi32>, vector<16xi32>], vector<16xf32>,
        %swap3A_127 = arith.index_cast %rem3A_122 : i32 to index
        %swap3A_128 = arith.constant 16 : index
        %swap3A_129 = tpu.vector_load %arg11[%swap3A_127, %swap3A_128] {strides = array<i32>} : memref<64x64xf32, #tpu.memory_space<vmem>>, vector<16xf32>,
        tpu.vector_store %arg11[%swap3A_127, %swap3A_128], %gather3A_126 {strides = array<i32>} : memref<64x64xf32, #tpu.memory_space<vmem>>, vector<16xf32>,
        %gather3A_130 = tpu.vector_load_idx %arg10[%broadcast_in_dim3A_99, %add3A_15, %broadcast_in_dim3A_120] : memref<3x64x512xf32, #tpu.memory_space<vmem>>[vector<16xi32>, vector<16xi32>, vector<16xi32>], vector<16xf32>,
        %swap3A_131 = arith.index_cast %rem3A_122 : i32 to index
        %swap3A_132 = arith.constant 32 : index
        %swap3A_133 = tpu.vector_load %arg11[%swap3A_131, %swap3A_132] {strides = array<i32>} : memref<64x64xf32, #tpu.memory_space<vmem>>, vector<16xf32>,
        tpu.vector_store %arg11[%swap3A_131, %swap3A_132], %gather3A_130 {strides = array<i32>} : memref<64x64xf32, #tpu.memory_space<vmem>>, vector<16xf32>,
        %gather3A_134 = tpu.vector_load_idx %arg10[%broadcast_in_dim3A_99, %add3A_19, %broadcast_in_dim3A_120] : memref<3x64x512xf32, #tpu.memory_space<vmem>>[vector<16xi32>, vector<16xi32>, vector<16xi32>], vector<16xf32>,
        %swap3A_135 = arith.index_cast %rem3A_122 : i32 to index
        %swap3A_136 = arith.constant 48 : index
        %swap3A_137 = tpu.vector_load %arg11[%swap3A_135, %swap3A_136] {strides = array<i32>} : memref<64x64xf32, #tpu.memory_space<vmem>>, vector<16xf32>,
        tpu.vector_store %arg11[%swap3A_135, %swap3A_136], %gather3A_134 {strides = array<i32>} : memref<64x64xf32, #tpu.memory_space<vmem>>, vector<16xf32>,
        %get3A_138 = arith.index_cast %while3A_112 : i32 to index
        %get3A_139 = tpu.vector_load %arg7[%get3A_138] {strides = array<i32>} : memref<528xi32, #tpu.memory_space<vmem>>, vector<16xi32>,
        %slice3A_140 = vector.extract_strided_slice %get3A_139 {offsets = [0], sizes = [1], strides = [1]} : vector<16xi32> to vector<1xi32>
        %squeeze3A_141 = vector.extract %slice3A_140[0] : i32 from vector<1xi32>
        %dma_start3A = arith.constant 0 : i32
        %dma_start3A_142 = tpu.memref_slice %arg11[%rem3A_122, %dma_start3A] : memref<64x64xf32, #tpu.memory_space<vmem>> -> memref<1x64xf32, #tpu.memory_space<vmem>>
        %dma_start3A_143 = arith.constant 0 : i32
        %dma_start3A_144 = tpu.memref_slice %arg5[%squeeze3A_141, %dma_start3A_143] : memref<16384x64xf32, #tpu.memory_space<hbm>> -> memref<1x64xf32, #tpu.memory_space<hbm>>
        %dma_start3A_145 = arith.constant 0 : i32
        %dma_start3A_146 = tpu.memref_slice %arg5[%squeeze3A_141, %dma_start3A_145] : memref<16384x64xf32, #tpu.memory_space<hbm>> -> memref<1x64xf32, #tpu.memory_space<hbm>>
        %dma_start3A_147 = arith.constant 0 : i32
        %dma_start3A_148 = tpu.memref_slice %arg11[%rem3A_122, %dma_start3A_147] : memref<64x64xf32, #tpu.memory_space<vmem>> -> memref<1x64xf32, #tpu.memory_space<vmem>>
        tpu.enqueue_dma source(%dma_start3A_148 : memref<1x64xf32, #tpu.memory_space<vmem>>) target(%dma_start3A_146 : memref<1x64xf32, #tpu.memory_space<hbm>>) target_semaphore(%arg15 : memref<!tpu.dma_semaphore, #tpu.memory_space<semaphore_mem>>)
        %eq3A_149 = arith.constant 63 : i32
        %eq3A_150 = arith.cmpi eq, %rem3A_122, %eq3A_149 : i32
        %convert_element_type3A_151 = arith.extui %eq3A_150 : i1 to i32
        %cond3A_152 = arith.constant 0 : i32
        %cond3A_153 = arith.cmpi ne, %convert_element_type3A_151, %cond3A_152 : i32
        scf.if %cond3A_153 {
          %dma_wait3A = arith.constant 0 : i32
          %dma_wait3A_155 = arith.constant 0 : i32
          %dma_wait3A_156 = tpu.memref_slice %arg5[%dma_wait3A, %dma_wait3A_155] : memref<16384x64xf32, #tpu.memory_space<hbm>> -> memref<64x64xf32, #tpu.memory_space<hbm>>
          %dma_wait3A_157 = arith.constant 0 : i32
          %dma_wait3A_158 = arith.constant 0 : i32
          %dma_wait3A_159 = tpu.memref_slice %arg5[%dma_wait3A_157, %dma_wait3A_158] : memref<16384x64xf32, #tpu.memory_space<hbm>> -> memref<64x64xf32, #tpu.memory_space<hbm>>
          tpu.wait_dma2 semaphore(%arg15 : memref<!tpu.dma_semaphore, #tpu.memory_space<semaphore_mem>>) src(%arg11 : memref<64x64xf32, #tpu.memory_space<vmem>>) dst(%dma_wait3A_159 : memref<64x64xf32, #tpu.memory_space<hbm>>)
        } else {
        }
        %while3A_154 = arith.constant 0 : i32
        scf.yield %while3A_154 : i32
      }
      %while3A_109 = arith.constant 1 : i32
      %while3A_110 = scf.for %while3A_112 = %while3A_106 to %while3A_102 step %while3A_109 iter_args(%while3A_113 = %while3A_108) -> (i32)  : i32 {
        %add3A_114 = arith.constant 8 : i32
        %add3A_115 = arith.addi %add3A_114, %while3A_112 : i32
        %get3A_116 = arith.index_cast %add3A_115 : i32 to index
        %get3A_117 = tpu.vector_load %arg6[%get3A_116] {strides = array<i32>} : memref<536xi32, #tpu.memory_space<vmem>>, vector<16xi32>,
        %slice3A_118 = vector.extract_strided_slice %get3A_117 {offsets = [0], sizes = [1], strides = [1]} : vector<16xi32> to vector<1xi32>
        %squeeze3A_119 = vector.extract %slice3A_118[0] : i32 from vector<1xi32>
        %sub3A = arith.subi %squeeze3A_119, %squeeze3A_88 : i32
        %broadcast_in_dim3A_120 = vector.broadcast %sub3A : i32 to vector<16xi32>
        %rem3A_121 = arith.constant 64 : i32
        %rem3A_122 = arith.remsi %while3A_112, %rem3A_121 : i32
        %gather3A = tpu.vector_load_idx %arg10[%broadcast_in_dim3A_99, %add3A_7, %broadcast_in_dim3A_120] : memref<3x64x512xf32, #tpu.memory_space<vmem>>[vector<16xi32>, vector<16xi32>, vector<16xi32>], vector<16xf32>,
        %swap3A_123 = arith.index_cast %rem3A_122 : i32 to index
        %swap3A_124 = arith.constant 0 : index
        %swap3A_125 = tpu.vector_load %arg11[%swap3A_123, %swap3A_124] {strides = array<i32>} : memref<64x64xf32, #tpu.memory_space<vmem>>, vector<16xf32>,
        tpu.vector_store %arg11[%swap3A_123, %swap3A_124], %gather3A {strides = array<i32>} : memref<64x64xf32, #tpu.memory_space<vmem>>, vector<16xf32>,
        %gather3A_126 = tpu.vector_load_idx %arg10[%broadcast_in_dim3A_99, %add3A_11, %broadcast_in_dim3A_120] : memref<3x64x512xf32, #tpu.memory_space<vmem>>[vector<16xi32>, vector<16xi32>, vector<16xi32>], vector<16xf32>,
        %swap3A_127 = arith.index_cast %rem3A_122 : i32 to index
        %swap3A_128 = arith.constant 16 : index
        %swap3A_129 = tpu.vector_load %arg11[%swap3A_127, %swap3A_128] {strides = array<i32>} : memref<64x64xf32, #tpu.memory_space<vmem>>, vector<16xf32>,
        tpu.vector_store %arg11[%swap3A_127, %swap3A_128], %gather3A_126 {strides = array<i32>} : memref<64x64xf32, #tpu.memory_space<vmem>>, vector<16xf32>,
        %gather3A_130 = tpu.vector_load_idx %arg10[%broadcast_in_dim3A_99, %add3A_15, %broadcast_in_dim3A_120] : memref<3x64x512xf32, #tpu.memory_space<vmem>>[vector<16xi32>, vector<16xi32>, vector<16xi32>], vector<16xf32>,
        %swap3A_131 = arith.index_cast %rem3A_122 : i32 to index
        %swap3A_132 = arith.constant 32 : index
        %swap3A_133 = tpu.vector_load %arg11[%swap3A_131, %swap3A_132] {strides = array<i32>} : memref<64x64xf32, #tpu.memory_space<vmem>>, vector<16xf32>,
        tpu.vector_store %arg11[%swap3A_131, %swap3A_132], %gather3A_130 {strides = array<i32>} : memref<64x64xf32, #tpu.memory_space<vmem>>, vector<16xf32>,
        %gather3A_134 = tpu.vector_load_idx %arg10[%broadcast_in_dim3A_99, %add3A_19, %broadcast_in_dim3A_120] : memref<3x64x512xf32, #tpu.memory_space<vmem>>[vector<16xi32>, vector<16xi32>, vector<16xi32>], vector<16xf32>,
        %swap3A_135 = arith.index_cast %rem3A_122 : i32 to index
        %swap3A_136 = arith.constant 48 : index
        %swap3A_137 = tpu.vector_load %arg11[%swap3A_135, %swap3A_136] {strides = array<i32>} : memref<64x64xf32, #tpu.memory_space<vmem>>, vector<16xf32>,
        tpu.vector_store %arg11[%swap3A_135, %swap3A_136], %gather3A_134 {strides = array<i32>} : memref<64x64xf32, #tpu.memory_space<vmem>>, vector<16xf32>,
        %get3A_138 = arith.index_cast %while3A_112 : i32 to index
        %get3A_139 = tpu.vector_load %arg7[%get3A_138] {strides = array<i32>} : memref<528xi32, #tpu.memory_space<vmem>>, vector<16xi32>,
        %slice3A_140 = vector.extract_strided_slice %get3A_139 {offsets = [0], sizes = [1], strides = [1]} : vector<16xi32> to vector<1xi32>
        %squeeze3A_141 = vector.extract %slice3A_140[0] : i32 from vector<1xi32>
        %dma_start3A = arith.constant 0 : i32
        %dma_start3A_142 = tpu.memref_slice %arg11[%rem3A_122, %dma_start3A] : memref<64x64xf32, #tpu.memory_space<vmem>> -> memref<1x64xf32, #tpu.memory_space<vmem>>
        %dma_start3A_143 = arith.constant 0 : i32
        %dma_start3A_144 = tpu.memref_slice %arg5[%squeeze3A_141, %dma_start3A_143] : memref<16384x64xf32, #tpu.memory_space<hbm>> -> memref<1x64xf32, #tpu.memory_space<hbm>>
        %dma_start3A_145 = arith.constant 0 : i32
        %dma_start3A_146 = tpu.memref_slice %arg5[%squeeze3A_141, %dma_start3A_145] : memref<16384x64xf32, #tpu.memory_space<hbm>> -> memref<1x64xf32, #tpu.memory_space<hbm>>
        %dma_start3A_147 = arith.constant 0 : i32
        %dma_start3A_148 = tpu.memref_slice %arg11[%rem3A_122, %dma_start3A_147] : memref<64x64xf32, #tpu.memory_space<vmem>> -> memref<1x64xf32, #tpu.memory_space<vmem>>
        tpu.enqueue_dma source(%dma_start3A_148 : memref<1x64xf32, #tpu.memory_space<vmem>>) target(%dma_start3A_146 : memref<1x64xf32, #tpu.memory_space<hbm>>) target_semaphore(%arg15 : memref<!tpu.dma_semaphore, #tpu.memory_space<semaphore_mem>>)
        %eq3A_149 = arith.constant 63 : i32
        %eq3A_150 = arith.cmpi eq, %rem3A_122, %eq3A_149 : i32
        %convert_element_type3A_151 = arith.extui %eq3A_150 : i1 to i32
        %cond3A_152 = arith.constant 0 : i32
        %cond3A_153 = arith.cmpi ne, %convert_element_type3A_151, %cond3A_152 : i32
        scf.if %cond3A_153 {
          %dma_wait3A = arith.constant 0 : i32
          %dma_wait3A_155 = arith.constant 0 : i32
          %dma_wait3A_156 = tpu.memref_slice %arg5[%dma_wait3A, %dma_wait3A_155] : memref<16384x64xf32, #tpu.memory_space<hbm>> -> memref<64x64xf32, #tpu.memory_space<hbm>>
          %dma_wait3A_157 = arith.constant 0 : i32
          %dma_wait3A_158 = arith.constant 0 : i32
          %dma_wait3A_159 = tpu.memref_slice %arg5[%dma_wait3A_157, %dma_wait3A_158] : memref<16384x64xf32, #tpu.memory_space<hbm>> -> memref<64x64xf32, #tpu.memory_space<hbm>>
          tpu.wait_dma2 semaphore(%arg15 : memref<!tpu.dma_semaphore, #tpu.memory_space<semaphore_mem>>) src(%arg11 : memref<64x64xf32, #tpu.memory_space<vmem>>) dst(%dma_wait3A_159 : memref<64x64xf32, #tpu.memory_space<hbm>>)
        } else {
        }
        %while3A_154 = arith.constant 0 : i32
        scf.yield %while3A_154 : i32
      }
      %while3A_111 = arith.constant 0 : i32
      scf.yield %while3A_111 : i32
    }
    %while3A_59 = arith.constant 1 : i32
    %while3A_60 = scf.for %while3A_61 = %while3A_56 to %while3A_52 step %while3A_59 iter_args(%while3A_62 = %while3A_58) -> (i32)  : i32 {
      %rem3A_63 = arith.constant 3 : i32
      %rem3A_64 = arith.remsi %while3A_61, %rem3A_63 : i32
      %eq3A_65 = arith.constant 0 : i32
      %eq3A_66 = arith.cmpi eq, %rem3A_64, %eq3A_65 : i32
      %convert_element_type3A_67 = arith.extui %eq3A_66 : i1 to i32
      %cond3A_68 = arith.constant 0 : i32
      %cond3A_69 = arith.cmpi ne, %convert_element_type3A_67, %cond3A_68 : i32
      scf.if %cond3A_69 {
        %dma_wait3A = arith.constant 0 : i32
        %dma_wait3A_112 = arith.constant 0 : i32
        %dma_wait3A_113 = arith.constant 0 : i32
        %dma_wait3A_114 = tpu.memref_slice %arg10[%dma_wait3A, %dma_wait3A_112, %dma_wait3A_113] : memref<3x64x512xf32, #tpu.memory_space<vmem>> -> memref<1x64x512xf32, #tpu.memory_space<vmem>>
        %dma_wait3A_115 = tpu.memref_squeeze %dma_wait3A_114 : memref<1x64x512xf32, #tpu.memory_space<vmem>> -> memref<64x512xf32, #tpu.memory_space<vmem>>
        %dma_wait3A_116 = arith.constant 0 : i32
        %dma_wait3A_117 = arith.constant 0 : i32
        %dma_wait3A_118 = tpu.memref_slice %arg4[%dma_wait3A_116, %dma_wait3A_117] : memref<64x1000001xf32, #tpu.memory_space<hbm>> -> memref<64x512xf32, #tpu.memory_space<hbm>>
        %dma_wait3A_119 = arith.constant 0 : i32
        %dma_wait3A_120 = arith.constant 0 : i32
        %dma_wait3A_121 = tpu.memref_slice %arg10[%dma_wait3A, %dma_wait3A_119, %dma_wait3A_120] : memref<3x64x512xf32, #tpu.memory_space<vmem>> -> memref<1x64x512xf32, #tpu.memory_space<vmem>>
        %dma_wait3A_122 = tpu.memref_squeeze %dma_wait3A_121 : memref<1x64x512xf32, #tpu.memory_space<vmem>> -> memref<64x512xf32, #tpu.memory_space<vmem>>
        %dma_wait3A_123 = arith.constant 0 : i32
        %dma_wait3A_124 = arith.constant 0 : i32
        %dma_wait3A_125 = tpu.memref_slice %arg4[%dma_wait3A_123, %dma_wait3A_124] : memref<64x1000001xf32, #tpu.memory_space<hbm>> -> memref<64x512xf32, #tpu.memory_space<hbm>>
        tpu.wait_dma2 semaphore(%arg12 : memref<!tpu.dma_semaphore, #tpu.memory_space<semaphore_mem>>) src(%dma_wait3A_125 : memref<64x512xf32, #tpu.memory_space<hbm>>) dst(%dma_wait3A_122 : memref<64x512xf32, #tpu.memory_space<vmem>>)
      } else {
      }
      %eq3A_70 = arith.constant 1 : i32
      %eq3A_71 = arith.cmpi eq, %rem3A_64, %eq3A_70 : i32
      %convert_element_type3A_72 = arith.extui %eq3A_71 : i1 to i32
      %cond3A_73 = arith.constant 0 : i32
      %cond3A_74 = arith.cmpi ne, %convert_element_type3A_72, %cond3A_73 : i32
      scf.if %cond3A_74 {
        %dma_wait3A = arith.constant 1 : i32
        %dma_wait3A_112 = arith.constant 0 : i32
        %dma_wait3A_113 = arith.constant 0 : i32
        %dma_wait3A_114 = tpu.memref_slice %arg10[%dma_wait3A, %dma_wait3A_112, %dma_wait3A_113] : memref<3x64x512xf32, #tpu.memory_space<vmem>> -> memref<1x64x512xf32, #tpu.memory_space<vmem>>
        %dma_wait3A_115 = tpu.memref_squeeze %dma_wait3A_114 : memref<1x64x512xf32, #tpu.memory_space<vmem>> -> memref<64x512xf32, #tpu.memory_space<vmem>>
        %dma_wait3A_116 = arith.constant 0 : i32
        %dma_wait3A_117 = arith.constant 0 : i32
        %dma_wait3A_118 = tpu.memref_slice %arg4[%dma_wait3A_116, %dma_wait3A_117] : memref<64x1000001xf32, #tpu.memory_space<hbm>> -> memref<64x512xf32, #tpu.memory_space<hbm>>
        %dma_wait3A_119 = arith.constant 0 : i32
        %dma_wait3A_120 = arith.constant 0 : i32
        %dma_wait3A_121 = tpu.memref_slice %arg10[%dma_wait3A, %dma_wait3A_119, %dma_wait3A_120] : memref<3x64x512xf32, #tpu.memory_space<vmem>> -> memref<1x64x512xf32, #tpu.memory_space<vmem>>
        %dma_wait3A_122 = tpu.memref_squeeze %dma_wait3A_121 : memref<1x64x512xf32, #tpu.memory_space<vmem>> -> memref<64x512xf32, #tpu.memory_space<vmem>>
        %dma_wait3A_123 = arith.constant 0 : i32
        %dma_wait3A_124 = arith.constant 0 : i32
        %dma_wait3A_125 = tpu.memref_slice %arg4[%dma_wait3A_123, %dma_wait3A_124] : memref<64x1000001xf32, #tpu.memory_space<hbm>> -> memref<64x512xf32, #tpu.memory_space<hbm>>
        tpu.wait_dma2 semaphore(%arg13 : memref<!tpu.dma_semaphore, #tpu.memory_space<semaphore_mem>>) src(%dma_wait3A_125 : memref<64x512xf32, #tpu.memory_space<hbm>>) dst(%dma_wait3A_122 : memref<64x512xf32, #tpu.memory_space<vmem>>)
      } else {
      }
      %eq3A_75 = arith.constant 2 : i32
      %eq3A_76 = arith.cmpi eq, %rem3A_64, %eq3A_75 : i32
      %convert_element_type3A_77 = arith.extui %eq3A_76 : i1 to i32
      %cond3A_78 = arith.constant 0 : i32
      %cond3A_79 = arith.cmpi ne, %convert_element_type3A_77, %cond3A_78 : i32
      scf.if %cond3A_79 {
        %dma_wait3A = arith.constant 2 : i32
        %dma_wait3A_112 = arith.constant 0 : i32
        %dma_wait3A_113 = arith.constant 0 : i32
        %dma_wait3A_114 = tpu.memref_slice %arg10[%dma_wait3A, %dma_wait3A_112, %dma_wait3A_113] : memref<3x64x512xf32, #tpu.memory_space<vmem>> -> memref<1x64x512xf32, #tpu.memory_space<vmem>>
        %dma_wait3A_115 = tpu.memref_squeeze %dma_wait3A_114 : memref<1x64x512xf32, #tpu.memory_space<vmem>> -> memref<64x512xf32, #tpu.memory_space<vmem>>
        %dma_wait3A_116 = arith.constant 0 : i32
        %dma_wait3A_117 = arith.constant 0 : i32
        %dma_wait3A_118 = tpu.memref_slice %arg4[%dma_wait3A_116, %dma_wait3A_117] : memref<64x1000001xf32, #tpu.memory_space<hbm>> -> memref<64x512xf32, #tpu.memory_space<hbm>>
        %dma_wait3A_119 = arith.constant 0 : i32
        %dma_wait3A_120 = arith.constant 0 : i32
        %dma_wait3A_121 = tpu.memref_slice %arg10[%dma_wait3A, %dma_wait3A_119, %dma_wait3A_120] : memref<3x64x512xf32, #tpu.memory_space<vmem>> -> memref<1x64x512xf32, #tpu.memory_space<vmem>>
        %dma_wait3A_122 = tpu.memref_squeeze %dma_wait3A_121 : memref<1x64x512xf32, #tpu.memory_space<vmem>> -> memref<64x512xf32, #tpu.memory_space<vmem>>
        %dma_wait3A_123 = arith.constant 0 : i32
        %dma_wait3A_124 = arith.constant 0 : i32
        %dma_wait3A_125 = tpu.memref_slice %arg4[%dma_wait3A_123, %dma_wait3A_124] : memref<64x1000001xf32, #tpu.memory_space<hbm>> -> memref<64x512xf32, #tpu.memory_space<hbm>>
        tpu.wait_dma2 semaphore(%arg14 : memref<!tpu.dma_semaphore, #tpu.memory_space<semaphore_mem>>) src(%dma_wait3A_125 : memref<64x512xf32, #tpu.memory_space<hbm>>) dst(%dma_wait3A_122 : memref<64x512xf32, #tpu.memory_space<vmem>>)
      } else {
      }
      %add3A_80 = arith.constant 2 : i32
      %add3A_81 = arith.addi %while3A_61, %add3A_80 : i32
      %lt3A = arith.cmpi slt, %add3A_81, %scan3A_25 : i32
      %convert_element_type3A_82 = arith.extui %lt3A : i1 to i32
      %cond3A_83 = arith.constant 0 : i32
      %cond3A_84 = arith.cmpi ne, %convert_element_type3A_82, %cond3A_83 : i32
      scf.if %cond3A_84 {
        %add3A_112 = arith.constant 2 : i32
        %add3A_113 = arith.addi %while3A_61, %add3A_112 : i32
        %rem3A_114 = arith.constant 3 : i32
        %rem3A_115 = arith.remsi %add3A_113, %rem3A_114 : i32
        %get3A_116 = arith.index_cast %add3A_113 : i32 to index
        %get3A_117 = tpu.vector_load %arg8[%get3A_116] {strides = array<i32>} : memref<536xi32, #tpu.memory_space<vmem>>, vector<16xi32>,
        %slice3A_118 = vector.extract_strided_slice %get3A_117 {offsets = [0], sizes = [1], strides = [1]} : vector<16xi32> to vector<1xi32>
        %squeeze3A_119 = vector.extract %slice3A_118[0] : i32 from vector<1xi32>
        %multiple_of3A_120 = tpu.assume_multiple %squeeze3A_119, 128 : i32
        %eq3A_121 = arith.constant 0 : i32
        %eq3A_122 = arith.cmpi eq, %rem3A_115, %eq3A_121 : i32
        %convert_element_type3A_123 = arith.extui %eq3A_122 : i1 to i32
        %cond3A_124 = arith.constant 0 : i32
        %cond3A_125 = arith.cmpi ne, %convert_element_type3A_123, %cond3A_124 : i32
        scf.if %cond3A_125 {
          %dma_start3A = arith.constant 0 : i32
          %dma_start3A_136 = arith.constant 0 : i32
          %dma_start3A_137 = arith.constant 0 : i32
          %dma_start3A_138 = tpu.memref_slice %arg10[%dma_start3A, %dma_start3A_136, %dma_start3A_137] : memref<3x64x512xf32, #tpu.memory_space<vmem>> -> memref<1x64x512xf32, #tpu.memory_space<vmem>>
          %dma_start3A_139 = tpu.memref_squeeze %dma_start3A_138 : memref<1x64x512xf32, #tpu.memory_space<vmem>> -> memref<64x512xf32, #tpu.memory_space<vmem>>
          %dma_start3A_140 = arith.constant 0 : i32
          %dma_start3A_141 = tpu.memref_slice %arg4[%dma_start3A_140, %multiple_of3A_120] : memref<64x1000001xf32, #tpu.memory_space<hbm>> -> memref<64x512xf32, #tpu.memory_space<hbm>>
          %dma_start3A_142 = arith.constant 0 : i32
          %dma_start3A_143 = arith.constant 0 : i32
          %dma_start3A_144 = tpu.memref_slice %arg10[%dma_start3A, %dma_start3A_142, %dma_start3A_143] : memref<3x64x512xf32, #tpu.memory_space<vmem>> -> memref<1x64x512xf32, #tpu.memory_space<vmem>>
          %dma_start3A_145 = tpu.memref_squeeze %dma_start3A_144 : memref<1x64x512xf32, #tpu.memory_space<vmem>> -> memref<64x512xf32, #tpu.memory_space<vmem>>
          %dma_start3A_146 = arith.constant 0 : i32
          %dma_start3A_147 = tpu.memref_slice %arg4[%dma_start3A_146, %multiple_of3A_120] : memref<64x1000001xf32, #tpu.memory_space<hbm>> -> memref<64x512xf32, #tpu.memory_space<hbm>>
          tpu.enqueue_dma source(%dma_start3A_147 : memref<64x512xf32, #tpu.memory_space<hbm>>) target(%dma_start3A_145 : memref<64x512xf32, #tpu.memory_space<vmem>>) target_semaphore(%arg12 : memref<!tpu.dma_semaphore, #tpu.memory_space<semaphore_mem>>)
        } else {
        }
        %eq3A_126 = arith.constant 1 : i32
        %eq3A_127 = arith.cmpi eq, %rem3A_115, %eq3A_126 : i32
        %convert_element_type3A_128 = arith.extui %eq3A_127 : i1 to i32
        %cond3A_129 = arith.constant 0 : i32
        %cond3A_130 = arith.cmpi ne, %convert_element_type3A_128, %cond3A_129 : i32
        scf.if %cond3A_130 {
          %dma_start3A = arith.constant 1 : i32
          %dma_start3A_136 = arith.constant 0 : i32
          %dma_start3A_137 = arith.constant 0 : i32
          %dma_start3A_138 = tpu.memref_slice %arg10[%dma_start3A, %dma_start3A_136, %dma_start3A_137] : memref<3x64x512xf32, #tpu.memory_space<vmem>> -> memref<1x64x512xf32, #tpu.memory_space<vmem>>
          %dma_start3A_139 = tpu.memref_squeeze %dma_start3A_138 : memref<1x64x512xf32, #tpu.memory_space<vmem>> -> memref<64x512xf32, #tpu.memory_space<vmem>>
          %dma_start3A_140 = arith.constant 0 : i32
          %dma_start3A_141 = tpu.memref_slice %arg4[%dma_start3A_140, %multiple_of3A_120] : memref<64x1000001xf32, #tpu.memory_space<hbm>> -> memref<64x512xf32, #tpu.memory_space<hbm>>
          %dma_start3A_142 = arith.constant 0 : i32
          %dma_start3A_143 = arith.constant 0 : i32
          %dma_start3A_144 = tpu.memref_slice %arg10[%dma_start3A, %dma_start3A_142, %dma_start3A_143] : memref<3x64x512xf32, #tpu.memory_space<vmem>> -> memref<1x64x512xf32, #tpu.memory_space<vmem>>
          %dma_start3A_145 = tpu.memref_squeeze %dma_start3A_144 : memref<1x64x512xf32, #tpu.memory_space<vmem>> -> memref<64x512xf32, #tpu.memory_space<vmem>>
          %dma_start3A_146 = arith.constant 0 : i32
          %dma_start3A_147 = tpu.memref_slice %arg4[%dma_start3A_146, %multiple_of3A_120] : memref<64x1000001xf32, #tpu.memory_space<hbm>> -> memref<64x512xf32, #tpu.memory_space<hbm>>
          tpu.enqueue_dma source(%dma_start3A_147 : memref<64x512xf32, #tpu.memory_space<hbm>>) target(%dma_start3A_145 : memref<64x512xf32, #tpu.memory_space<vmem>>) target_semaphore(%arg13 : memref<!tpu.dma_semaphore, #tpu.memory_space<semaphore_mem>>)
        } else {
        }
        %eq3A_131 = arith.constant 2 : i32
        %eq3A_132 = arith.cmpi eq, %rem3A_115, %eq3A_131 : i32
        %convert_element_type3A_133 = arith.extui %eq3A_132 : i1 to i32
        %cond3A_134 = arith.constant 0 : i32
        %cond3A_135 = arith.cmpi ne, %convert_element_type3A_133, %cond3A_134 : i32
        scf.if %cond3A_135 {
          %dma_start3A = arith.constant 2 : i32
          %dma_start3A_136 = arith.constant 0 : i32
          %dma_start3A_137 = arith.constant 0 : i32
          %dma_start3A_138 = tpu.memref_slice %arg10[%dma_start3A, %dma_start3A_136, %dma_start3A_137] : memref<3x64x512xf32, #tpu.memory_space<vmem>> -> memref<1x64x512xf32, #tpu.memory_space<vmem>>
          %dma_start3A_139 = tpu.memref_squeeze %dma_start3A_138 : memref<1x64x512xf32, #tpu.memory_space<vmem>> -> memref<64x512xf32, #tpu.memory_space<vmem>>
          %dma_start3A_140 = arith.constant 0 : i32
          %dma_start3A_141 = tpu.memref_slice %arg4[%dma_start3A_140, %multiple_of3A_120] : memref<64x1000001xf32, #tpu.memory_space<hbm>> -> memref<64x512xf32, #tpu.memory_space<hbm>>
          %dma_start3A_142 = arith.constant 0 : i32
          %dma_start3A_143 = arith.constant 0 : i32
          %dma_start3A_144 = tpu.memref_slice %arg10[%dma_start3A, %dma_start3A_142, %dma_start3A_143] : memref<3x64x512xf32, #tpu.memory_space<vmem>> -> memref<1x64x512xf32, #tpu.memory_space<vmem>>
          %dma_start3A_145 = tpu.memref_squeeze %dma_start3A_144 : memref<1x64x512xf32, #tpu.memory_space<vmem>> -> memref<64x512xf32, #tpu.memory_space<vmem>>
          %dma_start3A_146 = arith.constant 0 : i32
          %dma_start3A_147 = tpu.memref_slice %arg4[%dma_start3A_146, %multiple_of3A_120] : memref<64x1000001xf32, #tpu.memory_space<hbm>> -> memref<64x512xf32, #tpu.memory_space<hbm>>
          tpu.enqueue_dma source(%dma_start3A_147 : memref<64x512xf32, #tpu.memory_space<hbm>>) target(%dma_start3A_145 : memref<64x512xf32, #tpu.memory_space<vmem>>) target_semaphore(%arg14 : memref<!tpu.dma_semaphore, #tpu.memory_space<semaphore_mem>>)
        } else {
        }
      } else {
      }
      %get3A_85 = arith.index_cast %while3A_61 : i32 to index
      %get3A_86 = tpu.vector_load %arg8[%get3A_85] {strides = array<i32>} : memref<536xi32, #tpu.memory_space<vmem>>, vector<16xi32>,
      %slice3A_87 = vector.extract_strided_slice %get3A_86 {offsets = [0], sizes = [1], strides = [1]} : vector<16xi32> to vector<1xi32>
      %squeeze3A_88 = vector.extract %slice3A_87[0] : i32 from vector<1xi32>
      %get3A_89 = arith.index_cast %while3A_61 : i32 to index
      %get3A_90 = tpu.vector_load %arg9[%get3A_89] {strides = array<i32>} : memref<536xi32, #tpu.memory_space<vmem>>, vector<16xi32>,
      %slice3A_91 = vector.extract_strided_slice %get3A_90 {offsets = [0], sizes = [1], strides = [1]} : vector<16xi32> to vector<1xi32>
      %squeeze3A_92 = vector.extract %slice3A_91[0] : i32 from vector<1xi32>
      %add3A_93 = arith.constant 1 : i32
      %add3A_94 = arith.addi %while3A_61, %add3A_93 : i32
      %get3A_95 = arith.index_cast %add3A_94 : i32 to index
      %get3A_96 = tpu.vector_load %arg9[%get3A_95] {strides = array<i32>} : memref<536xi32, #tpu.memory_space<vmem>>, vector<16xi32>,
      %slice3A_97 = vector.extract_strided_slice %get3A_96 {offsets = [0], sizes = [1], strides = [1]} : vector<16xi32> to vector<1xi32>
      %squeeze3A_98 = vector.extract %slice3A_97[0] : i32 from vector<1xi32>
      %broadcast_in_dim3A_99 = vector.broadcast %rem3A_64 : i32 to vector<16xi32>
      %while3A_100 = arith.constant 0 : i32
      %while3A_101 = arith.subi %squeeze3A_98, %squeeze3A_92 : i32
      %while3A_102 = arith.addi %squeeze3A_92, %while3A_101 : i32
      %while3A_103 = arith.constant 1 : i32
      %while3A_104 = arith.divsi %while3A_101, %while3A_103 : i32
      %while3A_105 = arith.muli %while3A_104, %while3A_103 : i32
      %while3A_106 = arith.addi %squeeze3A_92, %while3A_105 : i32
      %while3A_107 = arith.constant 1 : i32
      %while3A_108 = scf.for %while3A_112 = %squeeze3A_92 to %while3A_106 step %while3A_107 iter_args(%while3A_113 = %while3A_100) -> (i32)  : i32 {
        %add3A_114 = arith.constant 8 : i32
        %add3A_115 = arith.addi %add3A_114, %while3A_112 : i32
        %get3A_116 = arith.index_cast %add3A_115 : i32 to index
        %get3A_117 = tpu.vector_load %arg6[%get3A_116] {strides = array<i32>} : memref<536xi32, #tpu.memory_space<vmem>>, vector<16xi32>,
        %slice3A_118 = vector.extract_strided_slice %get3A_117 {offsets = [0], sizes = [1], strides = [1]} : vector<16xi32> to vector<1xi32>
        %squeeze3A_119 = vector.extract %slice3A_118[0] : i32 from vector<1xi32>
        %sub3A = arith.subi %squeeze3A_119, %squeeze3A_88 : i32
        %broadcast_in_dim3A_120 = vector.broadcast %sub3A : i32 to vector<16xi32>
        %rem3A_121 = arith.constant 64 : i32
        %rem3A_122 = arith.remsi %while3A_112, %rem3A_121 : i32
        %gather3A = tpu.vector_load_idx %arg10[%broadcast_in_dim3A_99, %add3A_7, %broadcast_in_dim3A_120] : memref<3x64x512xf32, #tpu.memory_space<vmem>>[vector<16xi32>, vector<16xi32>, vector<16xi32>], vector<16xf32>,
        %swap3A_123 = arith.index_cast %rem3A_122 : i32 to index
        %swap3A_124 = arith.constant 0 : index
        %swap3A_125 = tpu.vector_load %arg11[%swap3A_123, %swap3A_124] {strides = array<i32>} : memref<64x64xf32, #tpu.memory_space<vmem>>, vector<16xf32>,
        tpu.vector_store %arg11[%swap3A_123, %swap3A_124], %gather3A {strides = array<i32>} : memref<64x64xf32, #tpu.memory_space<vmem>>, vector<16xf32>,
        %gather3A_126 = tpu.vector_load_idx %arg10[%broadcast_in_dim3A_99, %add3A_11, %broadcast_in_dim3A_120] : memref<3x64x512xf32, #tpu.memory_space<vmem>>[vector<16xi32>, vector<16xi32>, vector<16xi32>], vector<16xf32>,
        %swap3A_127 = arith.index_cast %rem3A_122 : i32 to index
        %swap3A_128 = arith.constant 16 : index
        %swap3A_129 = tpu.vector_load %arg11[%swap3A_127, %swap3A_128] {strides = array<i32>} : memref<64x64xf32, #tpu.memory_space<vmem>>, vector<16xf32>,
        tpu.vector_store %arg11[%swap3A_127, %swap3A_128], %gather3A_126 {strides = array<i32>} : memref<64x64xf32, #tpu.memory_space<vmem>>, vector<16xf32>,
        %gather3A_130 = tpu.vector_load_idx %arg10[%broadcast_in_dim3A_99, %add3A_15, %broadcast_in_dim3A_120] : memref<3x64x512xf32, #tpu.memory_space<vmem>>[vector<16xi32>, vector<16xi32>, vector<16xi32>], vector<16xf32>,
        %swap3A_131 = arith.index_cast %rem3A_122 : i32 to index
        %swap3A_132 = arith.constant 32 : index
        %swap3A_133 = tpu.vector_load %arg11[%swap3A_131, %swap3A_132] {strides = array<i32>} : memref<64x64xf32, #tpu.memory_space<vmem>>, vector<16xf32>,
        tpu.vector_store %arg11[%swap3A_131, %swap3A_132], %gather3A_130 {strides = array<i32>} : memref<64x64xf32, #tpu.memory_space<vmem>>, vector<16xf32>,
        %gather3A_134 = tpu.vector_load_idx %arg10[%broadcast_in_dim3A_99, %add3A_19, %broadcast_in_dim3A_120] : memref<3x64x512xf32, #tpu.memory_space<vmem>>[vector<16xi32>, vector<16xi32>, vector<16xi32>], vector<16xf32>,
        %swap3A_135 = arith.index_cast %rem3A_122 : i32 to index
        %swap3A_136 = arith.constant 48 : index
        %swap3A_137 = tpu.vector_load %arg11[%swap3A_135, %swap3A_136] {strides = array<i32>} : memref<64x64xf32, #tpu.memory_space<vmem>>, vector<16xf32>,
        tpu.vector_store %arg11[%swap3A_135, %swap3A_136], %gather3A_134 {strides = array<i32>} : memref<64x64xf32, #tpu.memory_space<vmem>>, vector<16xf32>,
        %get3A_138 = arith.index_cast %while3A_112 : i32 to index
        %get3A_139 = tpu.vector_load %arg7[%get3A_138] {strides = array<i32>} : memref<528xi32, #tpu.memory_space<vmem>>, vector<16xi32>,
        %slice3A_140 = vector.extract_strided_slice %get3A_139 {offsets = [0], sizes = [1], strides = [1]} : vector<16xi32> to vector<1xi32>
        %squeeze3A_141 = vector.extract %slice3A_140[0] : i32 from vector<1xi32>
        %dma_start3A = arith.constant 0 : i32
        %dma_start3A_142 = tpu.memref_slice %arg11[%rem3A_122, %dma_start3A] : memref<64x64xf32, #tpu.memory_space<vmem>> -> memref<1x64xf32, #tpu.memory_space<vmem>>
        %dma_start3A_143 = arith.constant 0 : i32
        %dma_start3A_144 = tpu.memref_slice %arg5[%squeeze3A_141, %dma_start3A_143] : memref<16384x64xf32, #tpu.memory_space<hbm>> -> memref<1x64xf32, #tpu.memory_space<hbm>>
        %dma_start3A_145 = arith.constant 0 : i32
        %dma_start3A_146 = tpu.memref_slice %arg5[%squeeze3A_141, %dma_start3A_145] : memref<16384x64xf32, #tpu.memory_space<hbm>> -> memref<1x64xf32, #tpu.memory_space<hbm>>
        %dma_start3A_147 = arith.constant 0 : i32
        %dma_start3A_148 = tpu.memref_slice %arg11[%rem3A_122, %dma_start3A_147] : memref<64x64xf32, #tpu.memory_space<vmem>> -> memref<1x64xf32, #tpu.memory_space<vmem>>
        tpu.enqueue_dma source(%dma_start3A_148 : memref<1x64xf32, #tpu.memory_space<vmem>>) target(%dma_start3A_146 : memref<1x64xf32, #tpu.memory_space<hbm>>) target_semaphore(%arg15 : memref<!tpu.dma_semaphore, #tpu.memory_space<semaphore_mem>>)
        %eq3A_149 = arith.constant 63 : i32
        %eq3A_150 = arith.cmpi eq, %rem3A_122, %eq3A_149 : i32
        %convert_element_type3A_151 = arith.extui %eq3A_150 : i1 to i32
        %cond3A_152 = arith.constant 0 : i32
        %cond3A_153 = arith.cmpi ne, %convert_element_type3A_151, %cond3A_152 : i32
        scf.if %cond3A_153 {
          %dma_wait3A = arith.constant 0 : i32
          %dma_wait3A_155 = arith.constant 0 : i32
          %dma_wait3A_156 = tpu.memref_slice %arg5[%dma_wait3A, %dma_wait3A_155] : memref<16384x64xf32, #tpu.memory_space<hbm>> -> memref<64x64xf32, #tpu.memory_space<hbm>>
          %dma_wait3A_157 = arith.constant 0 : i32
          %dma_wait3A_158 = arith.constant 0 : i32
          %dma_wait3A_159 = tpu.memref_slice %arg5[%dma_wait3A_157, %dma_wait3A_158] : memref<16384x64xf32, #tpu.memory_space<hbm>> -> memref<64x64xf32, #tpu.memory_space<hbm>>
          tpu.wait_dma2 semaphore(%arg15 : memref<!tpu.dma_semaphore, #tpu.memory_space<semaphore_mem>>) src(%arg11 : memref<64x64xf32, #tpu.memory_space<vmem>>) dst(%dma_wait3A_159 : memref<64x64xf32, #tpu.memory_space<hbm>>)
        } else {
        }
        %while3A_154 = arith.constant 0 : i32
        scf.yield %while3A_154 : i32
      }
      %while3A_109 = arith.constant 1 : i32
      %while3A_110 = scf.for %while3A_112 = %while3A_106 to %while3A_102 step %while3A_109 iter_args(%while3A_113 = %while3A_108) -> (i32)  : i32 {
        %add3A_114 = arith.constant 8 : i32
        %add3A_115 = arith.addi %add3A_114, %while3A_112 : i32
        %get3A_116 = arith.index_cast %add3A_115 : i32 to index
        %get3A_117 = tpu.vector_load %arg6[%get3A_116] {strides = array<i32>} : memref<536xi32, #tpu.memory_space<vmem>>, vector<16xi32>,
        %slice3A_118 = vector.extract_strided_slice %get3A_117 {offsets = [0], sizes = [1], strides = [1]} : vector<16xi32> to vector<1xi32>
        %squeeze3A_119 = vector.extract %slice3A_118[0] : i32 from vector<1xi32>
        %sub3A = arith.subi %squeeze3A_119, %squeeze3A_88 : i32
        %broadcast_in_dim3A_120 = vector.broadcast %sub3A : i32 to vector<16xi32>
        %rem3A_121 = arith.constant 64 : i32
        %rem3A_122 = arith.remsi %while3A_112, %rem3A_121 : i32
        %gather3A = tpu.vector_load_idx %arg10[%broadcast_in_dim3A_99, %add3A_7, %broadcast_in_dim3A_120] : memref<3x64x512xf32, #tpu.memory_space<vmem>>[vector<16xi32>, vector<16xi32>, vector<16xi32>], vector<16xf32>,
        %swap3A_123 = arith.index_cast %rem3A_122 : i32 to index
        %swap3A_124 = arith.constant 0 : index
        %swap3A_125 = tpu.vector_load %arg11[%swap3A_123, %swap3A_124] {strides = array<i32>} : memref<64x64xf32, #tpu.memory_space<vmem>>, vector<16xf32>,
        tpu.vector_store %arg11[%swap3A_123, %swap3A_124], %gather3A {strides = array<i32>} : memref<64x64xf32, #tpu.memory_space<vmem>>, vector<16xf32>,
        %gather3A_126 = tpu.vector_load_idx %arg10[%broadcast_in_dim3A_99, %add3A_11, %broadcast_in_dim3A_120] : memref<3x64x512xf32, #tpu.memory_space<vmem>>[vector<16xi32>, vector<16xi32>, vector<16xi32>], vector<16xf32>,
        %swap3A_127 = arith.index_cast %rem3A_122 : i32 to index
        %swap3A_128 = arith.constant 16 : index
        %swap3A_129 = tpu.vector_load %arg11[%swap3A_127, %swap3A_128] {strides = array<i32>} : memref<64x64xf32, #tpu.memory_space<vmem>>, vector<16xf32>,
        tpu.vector_store %arg11[%swap3A_127, %swap3A_128], %gather3A_126 {strides = array<i32>} : memref<64x64xf32, #tpu.memory_space<vmem>>, vector<16xf32>,
        %gather3A_130 = tpu.vector_load_idx %arg10[%broadcast_in_dim3A_99, %add3A_15, %broadcast_in_dim3A_120] : memref<3x64x512xf32, #tpu.memory_space<vmem>>[vector<16xi32>, vector<16xi32>, vector<16xi32>], vector<16xf32>,
        %swap3A_131 = arith.index_cast %rem3A_122 : i32 to index
        %swap3A_132 = arith.constant 32 : index
        %swap3A_133 = tpu.vector_load %arg11[%swap3A_131, %swap3A_132] {strides = array<i32>} : memref<64x64xf32, #tpu.memory_space<vmem>>, vector<16xf32>,
        tpu.vector_store %arg11[%swap3A_131, %swap3A_132], %gather3A_130 {strides = array<i32>} : memref<64x64xf32, #tpu.memory_space<vmem>>, vector<16xf32>,
        %gather3A_134 = tpu.vector_load_idx %arg10[%broadcast_in_dim3A_99, %add3A_19, %broadcast_in_dim3A_120] : memref<3x64x512xf32, #tpu.memory_space<vmem>>[vector<16xi32>, vector<16xi32>, vector<16xi32>], vector<16xf32>,
        %swap3A_135 = arith.index_cast %rem3A_122 : i32 to index
        %swap3A_136 = arith.constant 48 : index
        %swap3A_137 = tpu.vector_load %arg11[%swap3A_135, %swap3A_136] {strides = array<i32>} : memref<64x64xf32, #tpu.memory_space<vmem>>, vector<16xf32>,
        tpu.vector_store %arg11[%swap3A_135, %swap3A_136], %gather3A_134 {strides = array<i32>} : memref<64x64xf32, #tpu.memory_space<vmem>>, vector<16xf32>,
        %get3A_138 = arith.index_cast %while3A_112 : i32 to index
        %get3A_139 = tpu.vector_load %arg7[%get3A_138] {strides = array<i32>} : memref<528xi32, #tpu.memory_space<vmem>>, vector<16xi32>,
        %slice3A_140 = vector.extract_strided_slice %get3A_139 {offsets = [0], sizes = [1], strides = [1]} : vector<16xi32> to vector<1xi32>
        %squeeze3A_141 = vector.extract %slice3A_140[0] : i32 from vector<1xi32>
        %dma_start3A = arith.constant 0 : i32
        %dma_start3A_142 = tpu.memref_slice %arg11[%rem3A_122, %dma_start3A] : memref<64x64xf32, #tpu.memory_space<vmem>> -> memref<1x64xf32, #tpu.memory_space<vmem>>
        %dma_start3A_143 = arith.constant 0 : i32
        %dma_start3A_144 = tpu.memref_slice %arg5[%squeeze3A_141, %dma_start3A_143] : memref<16384x64xf32, #tpu.memory_space<hbm>> -> memref<1x64xf32, #tpu.memory_space<hbm>>
        %dma_start3A_145 = arith.constant 0 : i32
        %dma_start3A_146 = tpu.memref_slice %arg5[%squeeze3A_141, %dma_start3A_145] : memref<16384x64xf32, #tpu.memory_space<hbm>> -> memref<1x64xf32, #tpu.memory_space<hbm>>
        %dma_start3A_147 = arith.constant 0 : i32
        %dma_start3A_148 = tpu.memref_slice %arg11[%rem3A_122, %dma_start3A_147] : memref<64x64xf32, #tpu.memory_space<vmem>> -> memref<1x64xf32, #tpu.memory_space<vmem>>
        tpu.enqueue_dma source(%dma_start3A_148 : memref<1x64xf32, #tpu.memory_space<vmem>>) target(%dma_start3A_146 : memref<1x64xf32, #tpu.memory_space<hbm>>) target_semaphore(%arg15 : memref<!tpu.dma_semaphore, #tpu.memory_space<semaphore_mem>>)
        %eq3A_149 = arith.constant 63 : i32
        %eq3A_150 = arith.cmpi eq, %rem3A_122, %eq3A_149 : i32
        %convert_element_type3A_151 = arith.extui %eq3A_150 : i1 to i32
        %cond3A_152 = arith.constant 0 : i32
        %cond3A_153 = arith.cmpi ne, %convert_element_type3A_151, %cond3A_152 : i32
        scf.if %cond3A_153 {
          %dma_wait3A = arith.constant 0 : i32
          %dma_wait3A_155 = arith.constant 0 : i32
          %dma_wait3A_156 = tpu.memref_slice %arg5[%dma_wait3A, %dma_wait3A_155] : memref<16384x64xf32, #tpu.memory_space<hbm>> -> memref<64x64xf32, #tpu.memory_space<hbm>>
          %dma_wait3A_157 = arith.constant 0 : i32
          %dma_wait3A_158 = arith.constant 0 : i32
          %dma_wait3A_159 = tpu.memref_slice %arg5[%dma_wait3A_157, %dma_wait3A_158] : memref<16384x64xf32, #tpu.memory_space<hbm>> -> memref<64x64xf32, #tpu.memory_space<hbm>>
          tpu.wait_dma2 semaphore(%arg15 : memref<!tpu.dma_semaphore, #tpu.memory_space<semaphore_mem>>) src(%arg11 : memref<64x64xf32, #tpu.memory_space<vmem>>) dst(%dma_wait3A_159 : memref<64x64xf32, #tpu.memory_space<hbm>>)
        } else {
        }
        %while3A_154 = arith.constant 0 : i32
        scf.yield %while3A_154 : i32
      }
      %while3A_111 = arith.constant 0 : i32
      scf.yield %while3A_111 : i32
    }
    return
  }
}

</mosaic_0001>

<sc_bundles>
// kernel: kernel.3.cloned.1.call-start
scs
__scs_entry_jumppad:
0x0: {  	(pc) =	sbr.rel $0x88, $3  }
0x1: {  	(tag) =	ssettag $0x0;
	lr =	simm.s32 $0x1  }
0x2: {  	[smem:$0x3F9E] =	sst lr;
	_ =	strace $0xD0000000  }
0x3: {  	_ = 	snop  }
0x4: {  	_ = 	snop  }
0x5: {  	_ = 	snop  }
0x6: {  	_ = 	snop  }
0x7: {  	_ = 	snop  }
__scs_overlays_trampoline_lowered:
0x8: {  	[smem:$0x3FAD] =	sst s0  }
0x9: {  	[smem:$0x3FAE] =	sst s1  }
0xa: {  	[smem:$0x3FAF] =	sst s2  }
0xb: {  	[smem:$0x3FB0] =	sst s3  }
0xc: {  	[smem:$0x3FB1] =	sst s4  }
0xd: {  	[smem:$0x3FB2] =	sst s5  }
0xe: {  	[smem:$0x3FB3] =	sst s6  }
0xf: {  	[smem:$0x3FB4] =	sst s7  }
0x10: {  	[smem:$0x3FB5] =	sst s8  }
0x11: {  	[smem:$0x3FB6] =	sst s9;
	s0 =	simm.s32 @!p0 $0x0  }
0x12: {  	s1 =	sld [smem:$0x3F9C];
	s0 =	simm.s32 @p0 $0x1  }
0x13: {  	[smem:$0x3FB7] =	sst s0;
	s0 =	simm.s32 @!p1 $0x0  }
0x14: {  	s2 =	sld [smem:$0x3F9B];
	s0 =	simm.s32 @p1 $0x1  }
0x15: {  	[smem:$0x3FB8] =	sst s0;
	s0 =	simm.s32 @!p2 $0x0  }
0x16: {  	s3 =	sld [smem:$0x3FDB];
	s0 =	simm.s32 @p2 $0x1  }
0x17: {  	s4 =	simm.s32 $0x1BF5;
	[smem:$0x3FBA] =	sst s0  }
0x18: {  	s0 =	sld [smem:$0x3F9D];
	_ =	swait.ge [sflag:s4], $0x0  }
0x19: {  	s7 =	sld [smem:$0x3F9E]  }
0x1a: {  	s8 =	sadd.s32 $0xFFFFE003, lr  }
0x1b: {  	s9 =	sadd.s32 $0xFFFFFEF7, lr;
	s5 =	simm.s32 $0xFFFFFFFF;
	p2 =	slt.u32 s8, $0xFFFFF086  }
0x1c: {  	p1 =	slt.u32 s9, $0xF7A;
	s5 =	simm.s32 @!p2 $0x0  }
0x1d: {  	s5 =	simm.s32 @p1 $0x1;
	p0 =	seq.s32 s7, s2  }
0x1e: {  	s7 =	smul.u32 @!p0 $0xF7A, s2;
	p2 =	seq.s32 @!p0 s5, $0x0  }
0x1f: {  	s9 =	smul.u32 $0xF7A, s1;
	s8 =	simm.s32 @!p0 $0x1BF5;
	p2 =	por !p2, p0  }
0x20: {  	[sflag:s8] =	ssyncset.s32 @!p0 $0xFFFFF086;
	s6 =	sadd.s32 @!p0 s3, s7;
	s7 =	simm.s32 @!p0 $0x108  }
0x21: {  	s3 =	sadd.s32 s3, s9;
	s6 =	sadd.s32 @!p0 $0x88, s6;
	s7 =	simm.s32 @p2 $0x1082  }
0x22: {  	[simem:s7], [sflag:s8] =	dma.local @!p0 [hbm:s6], $0xF7A  }
0x23: {  	s9 =	sor.u32 $0xD0000000, s2;
	s6 =	simm.s32 $0x108;
	_ =	swait.ge @!p0 [sflag:s8], $0x0  }
0x24: {  	s3 =	sadd.s32 $0x88, s3;
	s6 =	simm.s32 @!p1 $0x1082;
	[sflag:s4] =	ssyncset.s32 $0xFFFFF086  }
0x25: {  	[simem:s6], [sflag:s4] =	dma.local [hbm:s3], $0xF7A  }
0x26: {  	[smem:$0x3F9E] =	sst s1;
	(tag) =	ssettag s2;
	_ =	strace s9  }
0x27: {  	s1 =	sld [smem:$0x3FAE]  }
0x28: {  	s2 =	sld [smem:$0x3FAF]  }
0x29: {  	s4 =	sld [smem:$0x3FB1]  }
0x2a: {  	p0 =	seq.s32 s5, $0x0;
	s5 =	sld [smem:$0x3FB2]  }
0x2b: {  	s6 =	sld [smem:$0x3FB3]  }
0x2c: {  	s7 =	sld [smem:$0x3FB4]  }
0x2d: {  	s3 =	simm.s32 $0x108;
	s8 =	sld [smem:$0x3FB5]  }
0x2e: {  	s3 =	simm.s32 @!p0 $0x1082;
	s9 =	sld [smem:$0x3FB6]  }
0x2f: {  	lr =	sadd.s32 s0, s3;
	s0 =	sld [smem:$0x3FAD]  }
0x30: {  	s3 =	sld [smem:$0x3FB0]  }
0x31: {  	[smem:$0x3FB9] =	sst s10  }
0x32: {  	s10 =	sld [smem:$0x3FB7];
	_ =	sdelay $0x3  }
0x33: {  	p0 =	seq.s32 s10, $0x1;
	s10 =	sld [smem:$0x3FB9];
	_ =	sdelay $0x3  }
0x34: {  	[smem:$0x3FB9] =	sst s10  }
0x35: {  	s10 =	sld [smem:$0x3FB8];
	_ =	sdelay $0x3  }
0x36: {  	p1 =	seq.s32 s10, $0x1;
	s10 =	sld [smem:$0x3FB9];
	_ =	sdelay $0x3  }
0x37: {  	[smem:$0x3FB9] =	sst s10  }
0x38: {  	s10 =	sld [smem:$0x3FBA]  }
0x39: {  	_ = 	snop;
	(pc) =	sbr.ind lr, $3  }
0x3a: {  	_ = 	snop  }
0x3b: {  	_ = 	snop  }
0x3c: {  	p2 =	seq.s32 s10, $0x1;
	s10 =	sld [smem:$0x3FB9]  }
0x3d: {  	_ =	shalt  }
0x3e: {  	_ =	shalt  }
0x3f: {  	_ =	shalt  }
0x40: {  	_ =	shalt  }
0x41: {  	_ =	shalt  }
0x42: {  	_ =	shalt  }
0x43: {  	_ =	shalt  }
0x44: {  	_ =	shalt  }
0x45: {  	_ =	shalt  }
0x46: {  	_ =	shalt  }
0x47: {  	_ =	shalt  }
0x48: {  	_ =	shalt  }
0x49: {  	_ =	shalt  }
0x4a: {  	_ =	shalt  }
0x4b: {  	_ =	shalt  }
0x4c: {  	_ =	shalt  }
0x4d: {  	_ =	shalt  }
0x4e: {  	_ =	shalt  }
0x4f: {  	_ =	shalt  }
0x50: {  	_ =	shalt  }
0x51: {  	_ =	shalt  }
0x52: {  	_ =	shalt  }
0x53: {  	_ =	shalt  }
0x54: {  	_ =	shalt  }
0x55: {  	_ =	shalt  }
0x56: {  	_ =	shalt  }
0x57: {  	_ =	shalt  }
0x58: {  	_ =	shalt  }
0x59: {  	_ =	shalt  }
0x5a: {  	_ =	shalt  }
0x5b: {  	_ =	shalt  }
0x5c: {  	_ =	shalt  }
0x5d: {  	_ =	shalt  }
0x5e: {  	_ =	shalt  }
0x5f: {  	_ =	shalt  }
0x60: {  	_ =	shalt  }
0x61: {  	_ =	shalt  }
0x62: {  	_ =	shalt  }
0x63: {  	_ =	shalt  }
0x64: {  	_ =	shalt  }
0x65: {  	_ =	shalt  }
0x66: {  	_ =	shalt  }
0x67: {  	_ =	shalt  }
0x68: {  	_ =	shalt  }
0x69: {  	_ =	shalt  }
0x6a: {  	_ =	shalt  }
0x6b: {  	_ =	shalt  }
0x6c: {  	_ =	shalt  }
0x6d: {  	_ =	shalt  }
0x6e: {  	_ =	shalt  }
0x6f: {  	_ =	shalt  }
0x70: {  	_ =	shalt  }
0x71: {  	_ =	shalt  }
0x72: {  	_ =	shalt  }
0x73: {  	_ =	shalt  }
0x74: {  	_ =	shalt  }
0x75: {  	_ =	shalt  }
0x76: {  	_ =	shalt  }
0x77: {  	_ =	shalt  }
0x78: {  	_ =	shalt  }
0x79: {  	_ =	shalt  }
0x7a: {  	_ =	shalt  }
0x7b: {  	_ =	shalt  }
0x7c: {  	_ =	shalt  }
0x7d: {  	_ =	shalt  }
0x7e: {  	_ =	shalt  }
0x7f: {  	_ =	shalt  }
0x80: {  	_ =	shalt  }
0x81: {  	_ =	shalt  }
0x82: {  	_ =	shalt  }
0x83: {  	_ =	shalt  }
0x84: {  	_ =	shalt  }
0x85: {  	_ =	shalt  }
0x86: {  	_ =	shalt  }
0x87: {  	_ =	shalt  }
.Lfunc_end0:
.L_simem_size_0:
called_computation_lowered:
.L_overlay_start_0:
0x88: {  	s2 =	sld [smem:$0x3FD9]  }
0x89: {  	s3 =	sld [smem:$0x3FFE];
	_ =	sdelay $0x1  }
0x8a: {  	s1 =	srdreg.scid  }
0x8b: {  	s0 =	sand.u32 $0x1, s1  }
0x8c: {  	s17 =	sshll.u32 s0, $0xA;
	s2 =	sadd.s32 s3, s2  }
0x8d: {  	s2 =	sadd.s32 s2, s17  }
0x8e: {  	[smem:$0x3FC5] =	sst s2  }
0x8f: {  	_ = 	snop  }
0x90: {  	s2 =	sld [smem:$0x3FC8]  }
0x91: {  	s18 =	sld [smem:$0x3FD0];
	(tm) =	ssettm $0x1  }
0x92: {  	s4 =	sld [smem:$0x3FFB];
	_ =	sdelay $0x3  }
0x93: {  	_ =	strace s4  }
0x94: {  	s4 =	sld [smem:$0x3FFC];
	_ =	sdelay $0x3  }
0x95: {  	_ =	strace s4  }
0x96: {  	s4 =	sld [smem:$0x3FFD];
	_ =	sdelay $0x3  }
0x97: {  	_ =	strace s4  }
0x98: {  	_ =	strace $0x8FFFFFFF  }
0x99: {  	s19 =	sld [smem:$0x3FDB];
	_ =	sdelay $0x1  }
0x9a: {  	s5 =	simm.s32 $_scs_section_size  }
0x9b: {  	s6 =	simm.s32 $_size__tile_overlayer_lowered;
	s7 =	simm.s32 $_tile_overlayer_lowered  }
0x9c: {  	s22 =	simm.s32 $0x1BFF;
	s21 =	sshll.u32 s7, $0x1;
	s4 =	sadd.s32 s5, s19  }
0x9d: {  	s8 =	simm.s32 $0x0;
	s20 =	sshll.u32 s6, $0x1;
	s6 =	sadd.s32 s21, s4  }
0x9e: {  	[timem:s8], [sflag:s22] =	dma.local [hbm:s6], s20  }
0x9f: {  	_ =	swait.ge [sflag:s22], s20  }
0xa0: {  	s5 =	ssub.s32 $0x0, s20;
	[sflag:s22] =	ssyncset.done $0x0  }
0xa1: {  	[sflag:s22] =	ssyncadd.s32 s5;
	_ =	sdelay $0x1  }
0xa2: {  	s23 =	simm.s32 $0x1B8B  }
0xa3: {  	_ =	swait.ge [sflag:s23], $0x1  }
0xa4: {  	[sflag:s23] =	ssyncset.done $0x0  }
0xa5: {  	s25 =	simm.s32 $0x1B8E;
	s24 =	sld [smem:$0x3FFE];
	[sflag:s23] =	ssyncadd.s32 $0xFFFFFFFF  }
0xa6: {  	s26 =	simm.s32 $execute0_lowered;
	[smem:$0x3FD2] =	sst s25  }
0xa7: {  	s6 =	sshll.u32 s26, $0x1;
	_ =	strace $0x80000046;
	[dreg:$0x1] =	wrdreg $0xFFFFFFFF  }
0xa8: {  	s28 =	simm.s32 $_size_execute0_lowered;
	s4 =	sadd.s32 s4, s6;
	[dreg:$0x0] =	wrdreg $0x0  }
0xa9: {  	s6 =	sshll.u32 s28, $0x1;
	[dreg:$0x2] =	wrdreg s4  }
0xaa: {  	[dreg:$0x3] =	wrdreg s6  }
0xab: {  	[dreg:$0x4] =	wrdreg $0xC0  }
0xac: {  	_ =	task [dreg:s8], $0x5FFFF  }
0xad: {  	[dreg:$0x1] =	wrdreg $0xFFFFFFFF  }
0xae: {  	[dreg:$0x0] =	wrdreg $0x60  }
0xaf: {  	[dreg:$0x2] =	wrdreg s18  }
0xb0: {  	[dreg:$0x3] =	wrdreg s24  }
0xb1: {  	[dreg:$0x4] =	wrdreg s2  }
0xb2: {  	[dreg:$0x5] =	wrdreg $0x9  }
0xb3: {  	_ =	task.clear_ibuf [dreg:s8], $0x6FFFF;
	_ =	strace $0x90000046  }
0xb4: {  	s29 =	simm.s32 $0x9;
	_ =	strace $0x80000048  }
0xb5: {  	_ =	swait.ge [sflag:s29], $0x1  }
0xb6: {  	[sflag:s29] =	ssyncadd.s32 $0xFFFFFFFF  }
0xb7: {  	_ =	strace $0x90000048  }
0xb8: {  	_ =	sfence  }
0xb9: {  	s30 =	sld [smem:$0x0];
	_ =	sdelay $0x2  }
0xba: {  	s31 =	sshll.u32 s1, $0xD;
	s1 =	sshrl.u32 s1, $0x2  }
0xbb: {  	s3 =	sand.u32 $0x4000, s31;
	s1 =	sadd.s32 s1, s30  }
0xbc: {  	s0 =	sor.u32 s3, s0;
	s1 =	sshll.u32 s1, $0x11  }
0xbd: {  	s0 =	sor.u32 s1, s0  }
0xbe: {  	s0 =	sadd.s32 $0x8F2B, s0  }
0xbf: {  	[sflag:s0] =	ssyncadd.remote.s32 $0x1  }
0xc0: {  	_ =	sfence.sel $0xFFFF  }
0xc1: {  	[dreg:$0x0] =	wrdreg $0xFFFFFFFF;
	(pc) =	sbr.abs _section_cstart, $3  }
0xc2: {  	[dreg:$0x1] =	wrdreg $0xFFFFFFFF  }
0xc3: {  	_ =	task.clear_ibuf [dreg:s8], $0x2FFFF;
	_ =	strace $0x9FFFFFFF  }
0xc4: {  	(tm) =	ssettm $0x7FFFFFFF  }
0xc5: {  	_ =	shalt  }
tec
execute0_lowered:
.L_overlay_start_1:
0x0: {  	(tag) =	ssettag $0x1  }
0x1: {  	v0 =	vimm.s32 $0x1380  }
0x2: {  	vm14 =	vcmask $0x300;
	vm13 =	vcmask $0x704;
	vm12 =	vcmask $0xB08  }
0x3: {  	vm11 =	vcmask $0xF0C;
	vm10 =	vcmask $0x1310;
	vm9 =	vcmask $0x1714  }
0x4: {  	vm8 =	vcmask $0x1B18;
	vm7 =	vcmask $0x1F1C;
	vm6 =	vcmask $0x2320  }
0x5: {  	vm5 =	vcmask $0x2724;
	vm4 =	vcmask $0x2B28;
	vm3 =	vcmask $0x2F2C  }
0x6: {  	vm2 =	vcmask $0x3330;
	vm1 =	vcmask $0x3734;
	vm0 =	vcmask $0x3B38  }
0x7: {  	v2 =	vimm.s32 $0x200;
	v4 =	vimm.s32 $0x3380;
	v5 =	vimm.s32 $0x5380  }
0x8: {  	v6 =	vimm.s32 $0x7380;
	v0 =	vsel vm14, $0x0, v0;
	v4 =	vsel vm14, $0x2000, v4  }
0x9: {  	v5 =	vsel vm14, $0x4000, v5;
	v6 =	vsel vm14, $0x6000, v6;
	v0 =	vsel vm13, $0x80, v0  }
0xa: {  	v4 =	vsel vm13, $0x2080, v4;
	v5 =	vsel vm13, $0x4080, v5;
	v6 =	vsel vm13, $0x6080, v6  }
0xb: {  	v0 =	vsel vm12, $0x100, v0;
	v4 =	vsel vm12, $0x2100, v4;
	v5 =	vsel vm12, $0x4100, v5  }
0xc: {  	v6 =	vsel vm12, $0x6100, v6;
	v0 =	vsel vm11, $0x180, v0;
	v4 =	vsel vm11, $0x2180, v4  }
0xd: {  	v5 =	vsel vm11, $0x4180, v5;
	v6 =	vsel vm11, $0x6180, v6;
	v0 =	vsel vm10, $0x200, v0  }
0xe: {  	v4 =	vsel vm10, $0x2200, v4;
	v5 =	vsel vm10, $0x4200, v5;
	v6 =	vsel vm10, $0x6200, v6  }
0xf: {  	v0 =	vsel vm9, $0x280, v0;
	v4 =	vsel vm9, $0x2280, v4;
	v5 =	vsel vm9, $0x4280, v5  }
0x10: {  	v6 =	vsel vm9, $0x6280, v6;
	v0 =	vsel vm8, $0x300, v0;
	v4 =	vsel vm8, $0x2300, v4  }
0x11: {  	s5 =	rddreg [dreg:$0x0];
	v5 =	vsel vm8, $0x4300, v5;
	v6 =	vsel vm8, $0x6300, v6;
	v0 =	vsel vm7, $0x380, v0  }
0x12: {  	s6 =	rddreg [dreg:$0x1];
	v4 =	vsel vm7, $0x2380, v4;
	v5 =	vsel vm7, $0x4380, v5;
	v6 =	vsel vm7, $0x6380, v6  }
0x13: {  	s1 =	rddreg [dreg:$0x2];
	v0 =	vsel vm6, $0x1000, v0;
	v4 =	vsel vm6, $0x3000, v4;
	v5 =	vsel vm6, $0x5000, v5  }
0x14: {  	s0 =	rddreg [dreg:$0x3];
	v6 =	vsel vm6, $0x7000, v6;
	v0 =	vsel vm5, $0x1080, v0;
	v4 =	vsel vm5, $0x3080, v4  }
0x15: {  	s2 =	simm.s32 $0x0;
	s4 =	srdreg.scid;
	s10 =	simm.s32 $0x1000;
	v5 =	vsel vm5, $0x5080, v5;
	v6 =	vsel vm5, $0x7080, v6;
	v0 =	vsel vm4, $0x1100, v0  }
0x16: {  	s3 =	stileid.u32;
	s11 =	simm.s32 $0x7A1400;
	s12 =	simm.s32 $0xA00;
	v4 =	vsel vm4, $0x3100, v4;
	v5 =	vsel vm4, $0x5100, v5;
	v6 =	vsel vm4, $0x7100, v6  }
0x17: {  	s13 =	simm.s32 $0x8A00;
	s14 =	simm.s32 $0x0;
	[smem:$0x7FF] =	sst s2;
	v0 =	vsel vm3, $0x1180, v0;
	v4 =	vsel vm3, $0x3180, v4;
	v5 =	vsel vm3, $0x5180, v5  }
.Ltmp0:
0x18: {  	s4 =	sand.u32 $0x1, s4;
	s8 =	sshll.u32 s3, $0x7;
	v6 =	vsel vm3, $0x7180, v6;
	v1 =	vsel vm2, $0x1200, v0;
	v0 =	vimm.s32 $0xFFFFFFFF;
	(pc) =	sbr.rel .LBB2_1-.Ltmp0, $4  }
0x19: {  	s7 =	ssub.s32 $0x2, s4;
	s4 =	sshll.u32 s4, $0x6;
	_ =	strace $0x80000047;
	v4 =	vsel vm2, $0x3200, v4;
	v5 =	vsel vm2, $0x5200, v5;
	v6 =	vsel vm2, $0x7200, v6  }
0x1a: {  	s9 =	sshrl.u32 s7, $0x1;
	s8 =	sor.u32 s4, s8;
	s4 =	sadd.s32 $0xA00, s6;
	v3 =	vsel vm1, $0x1280, v1;
	v1 =	vlaneseq.u32;
	v4 =	vsel vm1, $0x3280, v4  }
0x1b: {  	s7 =	ssub.s32 s7, s9;
	s5 =	sadd.s32 s5, s8;
	s6 =	sadd.s32 s6, s8;
	v5 =	vsel vm1, $0x5280, v5;
	v6 =	vsel vm1, $0x7280, v6;
	v3 =	vsel vm0, $0x1300, v3  }
0x1c: {  	s8 =	simm.s32 $0x280;
	s9 =	simm.s32 $0x5;
	s7 =	smax.u32 s7, $0x1;
	v4 =	vsel vm0, $0x3300, v4;
	v5 =	vsel vm0, $0x5300, v5;
	v6 =	vsel vm0, $0x7300, v6  }
.LBB2_12:
0x1d: {  	s14 =	sadd.s32 $0x1, s14  }
0x1e: {  	p0 =	sne.s32 s14, s7  }
.Ltmp1:
0x1f: {  	_ = 	snop;
	(pc) =	sbr.rel @!p0 .LBB2_13-.Ltmp1, $1  }
0x20: {  	_ =	sdelay $0x3  }
.LBB2_1:
0x21: {  	[tilespmem:$0x0] =	vst v0;
	s15 =	simm.s32 $0x8  }
0x22: {  	[tilespmem:s15], [sflag:$0x5] =	stream.linear.gather [hbm4b:s5+s2], $0x210, $0x38;
	[tilespmem:$0x1AA00] =	vst v63  }
0x23: {  	_ =	swait.ge [sflag:s9], $0x210  }
0x24: {  	[sflag:s9] =	ssyncset.done $0x0  }
0x25: {  	[sflag:s9] =	ssyncadd.s32 $0xFFFFFDF0  }
0x26: {  	[tilespmem:s8], [sflag:$0x5] =	stream.linear.gather [hbm4b:s6+s2], $0x210, $0x38;
	[tilespmem:$0x1AA00] =	vst v63  }
0x27: {  	_ =	swait.ge [sflag:s9], $0x210  }
0x28: {  	[sflag:s9] =	ssyncset.done $0x0  }
0x29: {  	[sflag:s9] =	ssyncadd.s32 $0xFFFFFDF0  }
0x2a: {  	v7 =	vld [tilespmem:s15+$0x0]  }
0x2b: {  	v8 =	vld [tilespmem:s15+$0xFFFFFFFF];
	_ =	sdelay $0x4  }
0x2c: {  	v8 =	vxor.u32 v7, v8  }
0x2d: {  	vm0 =	vgt.u32 v8, $0x1FF  }
0x2e: {  	v8 =	vmpcnt.ones.xlane vm0;
	_ =	sdelay $0x1  }
0x2f: {  	v7 =	vand.u32 $0xFFFFFE00, v7;
	(v2sf) =	vpush v8, $0x0  }
0x30: {  	vm1 =	vlt.s32 v7, $0xF4080  }
0x31: {  	v7 =	vnsel vm1, $0xF4080, v7  }
0x32: {  	[tilespmem:s2+$0x500] =	vst.msk vm0, v7;
	v7 =	vor.u32 s2, v1  }
0x33: {  	s15 =	simm.s32 $0x18;
	[tilespmem:s2+$0x780] =	vst.msk vm0, v7  }
0x34: {  	v7 =	vld [tilespmem:s15+$0x0]  }
0x35: {  	v8 =	vld [tilespmem:s15+$0xFFFFFFFF];
	_ =	sdelay $0x4  }
0x36: {  	v8 =	vxor.u32 v7, v8  }
0x37: {  	vm0 =	vgt.u32 v8, $0x1FF  }
0x38: {  	v7 =	vand.u32 $0xFFFFFE00, v7;
	v8 =	vmpcnt.ones.xlane vm0  }
0x39: {  	s16 =	simm.s32 $0x10;
	vm1 =	vlt.s32 v7, $0xF4080  }
0x3a: {  	s17 =	simm.s32 $0x20;
	s18 =	simm.s32 $0x0;
	v7 =	vnsel vm1, $0xF4080, v7;
	(v2sf) =	vpush v8, $0x0;
	s19 =	spop (v2sf)  }
.LBB2_2:
0x3b: {  	p0 =	sne.s32 s17, $0x1F0  }
0x3c: {  	s18 =	sadd.s32 s18, s19;
	s19 =	smov.u32 s17;
	s17 =	sadd.s32 $0x10, s17  }
0x3d: {  	[tilespmem:s18+$0x500] =	vst.msk vm0, v7;
	v7 =	vor.u32 s16, v1;
	s16 =	smov.u32 s19  }
0x3e: {  	[tilespmem:s18+$0x780] =	vst.msk vm0, v7  }
0x3f: {  	s15 =	sadd.s32 $0x10, s15  }
0x40: {  	v7 =	vld [tilespmem:s15+$0x0]  }
0x41: {  	v8 =	vld [tilespmem:s15+$0xFFFFFFFF];
	_ =	sdelay $0x3  }
0x42: {  	v9 =	vand.u32 $0xFFFFFE00, v7  }
.Ltmp2:
0x43: {  	v7 =	vxor.u32 v7, v8;
	vm1 =	vlt.s32 v9, $0xF4080;
	(pc) =	sbr.rel @p0 .LBB2_2-.Ltmp2, $3  }
0x44: {  	vm0 =	vgt.u32 v7, $0x1FF;
	v7 =	vnsel vm1, $0xF4080, v9  }
0x45: {  	v8 =	vmpcnt.ones.xlane vm0;
	_ =	sdelay $0x1  }
0x46: {  	(v2sf) =	vpush v8, $0x0;
	s19 =	spop (v2sf)  }
0x47: {  	_ =	sdelay $0xc  }
0x48: {  	s15 =	sadd.s32 s18, s19  }
0x49: {  	[tilespmem:s15+$0x500] =	vst.msk vm0, v7;
	v7 =	vor.u32 s16, v1;
	s30 =	spop (v2sf)  }
0x4a: {  	[tilespmem:s15+$0x780] =	vst.msk vm0, v7;
	s15 =	sadd.s32 s15, s30  }
0x4b: {  	[tilespmem:s15+$0x780] =	vst v2  }
0x4c: {  	v7 =	vld [tilespmem:$0x500];
	_ =	sdelay $0x4  }
0x4d: {  	(v2sf) =	vpush v7, $0x0;
	_ =	sdelay $0xc  }
0x4e: {  	p0 =	slt.s32 s15, $0x2  }
.Ltmp3:
0x4f: {  	_ = 	snop;
	(pc) =	sbr.rel @p0 .LBB2_5-.Ltmp3, $4  }
0x50: {  	s31 =	spop (v2sf)  }
0x51: {  	s16 =	sand.u32 $0xFFFFF80, s31  }
0x52: {  	s16 =	sadd.s32 s1, s16  }
0x53: {  	[tilespmem:s12], [sflag:$0x1] =	stream.strided.gather [hbm4b:s16+s10], $0x8000, s11, s10, $0x38;
	[tilespmem:$0x1AA00] =	vst v63  }
0x54: {  	v7 =	vld [tilespmem:$0x501];
	_ =	sdelay $0x4  }
0x55: {  	(v2sf) =	vpush v7, $0x0;
	_ =	sdelay $0xe  }
.Ltmp4:
0x56: {  	s16 =	spop (v2sf);
	(pc) =	sbr.rel .LBB2_8-.Ltmp4, $4  }
0x57: {  	s16 =	sand.u32 $0xFFFFF80, s16  }
0x58: {  	s16 =	sadd.s32 s1, s16  }
0x59: {  	[tilespmem:s13], [sflag:$0x2] =	stream.strided.gather [hbm4b:s16+s10], $0x8000, s11, s10, $0x38;
	[tilespmem:$0x1AA00] =	vst v63  }
0x5a: {  	s16 =	simm.s32 $0x0  }
.LBB2_5:
0x5b: {  	p0 =	sne.s32 s15, $0x1  }
.Ltmp5:
0x5c: {  	_ = 	snop;
	(pc) =	sbr.rel @p0 .LBB2_12-.Ltmp5, $1  }
0x5d: {  	_ =	sdelay $0x3  }
.Ltmp6:
0x5e: {  	(pc) =	sbr.rel .LBB2_8-.Ltmp6, $2  }
0x5f: {  	_ =	sdelay $0x2  }
0x60: {  	s16 =	simm.s32 $0x0  }
.LBB2_11:
0x61: {  	[sflag:s22] =	ssyncset.done @!p1 $0x0  }
0x62: {  	[sflag:s22] =	ssyncadd.s32 @!p1 $0xFFFFE000  }
.LBB2_7:
0x63: {  	s16 =	sadd.s32 $0x1, s16  }
0x64: {  	p0 =	seq.s32 s16, s15  }
.Ltmp7:
0x65: {  	_ = 	snop;
	(pc) =	sbr.rel @p0 .LBB2_12-.Ltmp7, $1  }
0x66: {  	_ =	sdelay $0x3  }
.LBB2_8:
0x67: {  	s17 =	smulhi.u32 $0xAAAAAAAB, s16;
	_ =	sdelay $0x1  }
0x68: {  	s17 =	sshrl.u32 s17, $0x1  }
0x69: {  	s17 =	smul.u32 $0x3, s17;
	_ =	sdelay $0x1  }
0x6a: {  	s19 =	ssub.s32 s16, s17  }
0x6b: {  	p0 =	seq.s32 s19, $0x0  }
0x6c: {  	p1 =	seq.s32 @!p0 s19, $0x2  }
0x6d: {  	p1 =	por !p1, p0  }
0x6e: {  	s17 =	simm.s32 @!p1 $0x3  }
0x6f: {  	s17 =	simm.s32 @p1 $0x2  }
0x70: {  	s17 =	simm.s32 @p0 $0x1  }
0x71: {  	_ =	swait.ge [sflag:s17], $0x8000  }
0x72: {  	s18 =	sadd.s32 $0x2, s16;
	[sflag:s17] =	ssyncset.done $0x0  }
0x73: {  	p0 =	sge.s32 s18, s15;
	[sflag:s17] =	ssyncadd.s32 $0xFFFF8000  }
0x74: {  	v7 =	vld @!p0 [tilespmem:s18+$0x500];
	_ =	sdelay $0x4  }
0x75: {  	(v2sf) =	vpush @!p0 v7, $0x0;
	_ =	sdelay $0x3  }
0x76: {  	s20 =	sshra.s32 @!p0 s18, $0x1F  }
0x77: {  	s20 =	smul.u32 @!p0 $0x55555556, s20  }
0x78: {  	s17 =	smulhi.u32 @!p0 $0x55555556, s18;
	_ =	sdelay $0x1  }
0x79: {  	s17 =	sadd.s32 @!p0 s20, s17  }
0x7a: {  	s20 =	sshrl.u32 @!p0 s17, $0x1F  }
0x7b: {  	s17 =	sadd.s32 @!p0 s20, s17  }
0x7c: {  	s17 =	smul.u32 @!p0 $0x3, s17;
	_ =	sdelay $0x1  }
0x7d: {  	s17 =	ssub.s32 @!p0 s18, s17  }
0x7e: {  	p1 =	seq.s32 @!p0 s17, $0x2  }
0x7f: {  	p2 =	por !p1, p0;
	s18 =	spop @!p0 (v2sf)  }
0x80: {  	s21 =	simm.s32 @!p2 $0x1000;
	s20 =	sand.u32 @!p2 $0xFFFFF80, s18  }
0x81: {  	s22 =	simm.s32 @!p2 $0x7A1400;
	s23 =	simm.s32 @!p2 $0x10A00;
	s20 =	sadd.s32 @!p2 s1, s20  }
0x82: {  	[tilespmem:s23], [sflag:$0x3] =	stream.strided.gather @!p2 [hbm4b:s20+s21], $0x8000, s22, s21, $0x38;
	[tilespmem:$0x1AA00] =	vst v63  }
0x83: {  	p2 =	por p1, p0  }
0x84: {  	p3 =	seq.s32 @!p2 s17, $0x1  }
0x85: {  	p4 =	por @!p0 !p3, p1  }
0x86: {  	p4 =	por p4, p0  }
0x87: {  	s20 =	sand.u32 @!p4 $0xFFFFF80, s18;
	s21 =	simm.s32 @!p4 $0x1000  }
0x88: {  	s22 =	simm.s32 @!p4 $0x7A1400;
	s23 =	simm.s32 @!p4 $0x8A00;
	s20 =	sadd.s32 @!p4 s1, s20  }
0x89: {  	[tilespmem:s23], [sflag:$0x2] =	stream.strided.gather @!p4 [hbm4b:s20+s21], $0x8000, s22, s21, $0x38;
	[tilespmem:$0x1AA00] =	vst v63  }
0x8a: {  	p4 =	por @!p0 p3, p1  }
0x8b: {  	p4 =	por p4, p0  }
0x8c: {  	p4 =	sne.s32 @!p4 s17, $0x0  }
0x8d: {  	p2 =	por @!p2 p4, p3  }
0x8e: {  	p1 =	por @!p0 p2, p1  }
0x8f: {  	p0 =	por p1, p0  }
0x90: {  	s17 =	sand.u32 @!p0 $0xFFFFF80, s18;
	s18 =	simm.s32 @!p0 $0x1000  }
0x91: {  	s20 =	simm.s32 @!p0 $0x7A1400;
	s21 =	simm.s32 @!p0 $0xA00;
	s17 =	sadd.s32 @!p0 s1, s17  }
0x92: {  	[tilespmem:s21], [sflag:$0x1] =	stream.strided.gather @!p0 [hbm4b:s17+s18], $0x8000, s20, s18, $0x38;
	[tilespmem:$0x1AA00] =	vst v63  }
0x93: {  	v7 =	vld [tilespmem:s16+$0x500]  }
0x94: {  	v8 =	vld [tilespmem:s16+$0x780]  }
0x95: {  	v9 =	vld [tilespmem:s16+$0x781];
	_ =	sdelay $0x2  }
0x96: {  	(v2sf) =	vpush v7, $0x0  }
0x97: {  	(v2sf) =	vpush v8, $0x0  }
0x98: {  	(v2sf) =	vpush v9, $0x0;
	_ =	sdelay $0xc  }
0x99: {  	s17 =	spop (v2sf)  }
0x9a: {  	s20 =	spop (v2sf)  }
0x9b: {  	s18 =	spop (v2sf)  }
0x9c: {  	p0 =	sge.s32 s20, s18  }
.Ltmp8:
0x9d: {  	_ = 	snop;
	(pc) =	sbr.rel @p0 .LBB2_7-.Ltmp8, $1  }
0x9e: {  	_ =	sdelay $0x3  }
0x9f: {  	s21 =	sshll.u32 s20, $0x2  }
0xa0: {  	s21 =	sshra.s32 s21, $0x2  }
0xa1: {  	s23 =	sadd.s32 $0x8, s21  }
0xa2: {  	v7 =	vld [tilespmem:s23+$0x0];
	_ =	sdelay $0x4  }
0xa3: {  	(v2sf) =	vpush v7, $0x0;
	_ =	sdelay $0xe  }
0xa4: {  	s22 =	spop (v2sf)  }
0xa5: {  	s22 =	ssub.s32 s22, s17  }
0xa6: {  	s19 =	sshll.u32 s19, $0xF;
	v8 =	vmov s22  }
0xa7: {  	v7 =	vor.u32 s19, v3;
	v11 =	vand.u32 $0x7F, v8;
	v8 =	vshll.u32 v8, $0x3  }
0xa8: {  	v12 =	vand.u32 $0xFFFFFC00, v8;
	v8 =	vor.u32 v11, v7  }
0xa9: {  	v9 =	vadd.s32 v12, v8;
	_ =	sdelay $0x2  }
0xaa: {  	s30 =	sshra.s32 s20, $0x1F  }
0xab: {  	s22 =	sshrl.u32 s30, $0x1A;
	v8 =	vor.u32 s19, v4  }
0xac: {  	s22 =	sadd.s32 s22, s20;
	v10 =	vor.u32 v11, v8;
	v13 =	vld.idx.msk [tilespmem:v9+s12+$0x0], $0xffff  }
0xad: {  	s22 =	sand.u32 $0xFFFFFFC0, s22;
	v10 =	vadd.s32 v12, v10  }
0xae: {  	s22 =	ssub.s32 s20, s22  }
0xaf: {  	s24 =	sshll.u32 s22, $0x9  }
0xb0: {  	s24 =	sshra.s32 s24, $0x2  }
0xb1: {  	v9 =	vor.u32 s19, v5;
	[tilespmem:s24+$0x18A00] =	vst v13  }
0xb2: {  	v63 =	vor.u32 v11, v9;
	v14 =	vld.idx.msk [tilespmem:v10+s12+$0x0], $0xffff  }
0xb3: {  	v13 =	vadd.s32 v12, v63;
	_ =	sdelay $0x3  }
0xb4: {  	v10 =	vor.u32 s19, v6;
	[tilespmem:s24+$0x18A10] =	vst v14  }
0xb5: {  	v11 =	vor.u32 v11, v10;
	v13 =	vld.idx.msk [tilespmem:v13+s12+$0x0], $0xffff  }
0xb6: {  	v11 =	vadd.s32 v12, v11;
	_ =	sdelay $0x3  }
0xb7: {  	[tilespmem:s24+$0x18A20] =	vst v13  }
0xb8: {  	v11 =	vld.idx.msk [tilespmem:v11+s12+$0x0], $0xffff;
	_ =	sdelay $0x4  }
0xb9: {  	s19 =	sadd.s32 $0x280, s21;
	[tilespmem:s24+$0x18A30] =	vst v11  }
0xba: {  	v11 =	vld [tilespmem:s19+$0x0];
	_ =	sdelay $0x4  }
0xbb: {  	(v2sf) =	vpush v11, $0x0;
	_ =	sdelay $0xd  }
0xbc: {  	s20 =	sadd.s32 $0x1, s20  }
0xbd: {  	p0 =	seq.s32 s18, s20;
	s31 =	spop (v2sf)  }
.Ltmp9:
0xbe: {  	s21 =	sshll.u32 s31, $0x4;
	(pc) =	sbr.rel @p0 .LBB2_11-.Ltmp9, $4  }
0xbf: {  	p1 =	sne.s32 s22, $0x3F;
	s21 =	sand.u32 $0x1FFFFFF0, s21  }
0xc0: {  	s22 =	simm.s32 @!p1 $0x4;
	s24 =	sadd.s32 $0x18A00, s24;
	s21 =	sadd.s32 s4, s21  }
0xc1: {  	[hbm4b:s21+s2] =	stream.linear.scatter [tilespmem:s24], [sflag:$0x4], $0x80, $0x38;
	[tilespmem:$0x1AA00] =	vst v63  }
0xc2: {  	s21 =	sadd.s32 $0x1, s23;
	_ =	swait.ge @!p1 [sflag:s22], $0x2000  }
.LBB2_10:
0xc3: {  	[sflag:s22] =	ssyncset.done @!p1 $0x0  }
0xc4: {  	s19 =	sadd.s32 $0x1, s19;
	s23 =	smov.u32 s20;
	s20 =	sadd.s32 $0x1, s20  }
0xc5: {  	p0 =	seq.s32 s18, s20;
	[sflag:s22] =	ssyncadd.s32 @!p1 $0xFFFFE000  }
0xc6: {  	v11 =	vld [tilespmem:s21+$0x0];
	_ =	sdelay $0x4  }
0xc7: {  	(v2sf) =	vpush v11, $0x0;
	_ =	sdelay $0xe  }
0xc8: {  	s22 =	spop (v2sf)  }
0xc9: {  	s22 =	ssub.s32 s22, s17  }
0xca: {  	v11 =	vmov s22  }
0xcb: {  	v12 =	vand.u32 $0x7F, v11;
	v11 =	vshll.u32 v11, $0x3  }
0xcc: {  	v11 =	vand.u32 $0xFFFFFC00, v11;
	v13 =	vor.u32 v12, v7;
	v14 =	vor.u32 v12, v9  }
0xcd: {  	v15 =	vor.u32 v12, v10;
	v13 =	vadd.s32 v11, v13;
	v14 =	vadd.s32 v11, v14  }
0xce: {  	v12 =	vor.u32 v12, v8;
	v15 =	vadd.s32 v11, v15  }
0xcf: {  	v11 =	vadd.s32 v11, v12  }
0xd0: {  	s22 =	sshra.s32 s23, $0x1F  }
0xd1: {  	s22 =	sshrl.u32 s22, $0x1A  }
0xd2: {  	s22 =	sadd.s32 s22, s23;
	v12 =	vld.idx.msk [tilespmem:v13+s12+$0x0], $0xffff  }
0xd3: {  	s22 =	sand.u32 $0xFFFFFFC0, s22  }
0xd4: {  	s22 =	ssub.s32 s23, s22  }
0xd5: {  	s23 =	sshll.u32 s22, $0x9  }
0xd6: {  	s23 =	sshra.s32 s23, $0x2;
	_ =	sdelay $0x1  }
0xd7: {  	[tilespmem:s23+$0x18A00] =	vst v12  }
0xd8: {  	v11 =	vld.idx.msk [tilespmem:v11+s12+$0x0], $0xffff;
	_ =	sdelay $0x5  }
0xd9: {  	[tilespmem:s23+$0x18A10] =	vst v11  }
0xda: {  	v11 =	vld.idx.msk [tilespmem:v14+s12+$0x0], $0xffff;
	_ =	sdelay $0x5  }
0xdb: {  	[tilespmem:s23+$0x18A20] =	vst v11  }
0xdc: {  	v11 =	vld.idx.msk [tilespmem:v15+s12+$0x0], $0xffff;
	_ =	sdelay $0x5  }
0xdd: {  	[tilespmem:s23+$0x18A30] =	vst v11  }
0xde: {  	v11 =	vld [tilespmem:s19+$0x0];
	_ =	sdelay $0x4  }
0xdf: {  	(v2sf) =	vpush v11, $0x0;
	_ =	sdelay $0xe  }
0xe0: {  	s24 =	spop (v2sf)  }
.Ltmp10:
0xe1: {  	s24 =	sshll.u32 s24, $0x4;
	(pc) =	sbr.rel @!p0 .LBB2_10-.Ltmp10, $4  }
0xe2: {  	p1 =	sne.s32 s22, $0x3F;
	s23 =	sadd.s32 $0x18A00, s23;
	s24 =	sand.u32 $0x1FFFFFF0, s24  }
0xe3: {  	s22 =	simm.s32 @!p1 $0x4;
	s24 =	sadd.s32 s4, s24  }
0xe4: {  	[hbm4b:s24+s2] =	stream.linear.scatter [tilespmem:s23], [sflag:$0x4], $0x80, $0x38;
	[tilespmem:$0x1AA00] =	vst v63  }
0xe5: {  	s21 =	sadd.s32 $0x1, s21;
	_ =	swait.ge @!p1 [sflag:s22], $0x2000  }
.Ltmp11:
0xe6: {  	_ = 	snop;
	(pc) =	sbr.rel .LBB2_11-.Ltmp11, $1  }
0xe7: {  	_ =	sdelay $0x3  }
.LBB2_13:
0xe8: {  	_ =	sfence.sel $0x180000  }
0xe9: {  	[bflag:$0x0] =	sbarrier.arrive $0xFFFF  }
0xea: {  	p0 =	sne.s32 s3, $0x0;
	_ =	strace $0x90000047  }
0xeb: {  	s0 =	sadd.s32 @!p0 $0x100000, s0;
	[bflag:$0x2] =	sbarrier.arrive $0xFFFF  }
0xec: {  	[sflag:s0] =	ssyncadd.tile.s32 @!p0 $0x1;
	_ =	shalt  }
.Lfunc_end2:
_tile_overlayer_lowered:
.L_overlay_start_2:
0xed: {  	(tag) =	ssettag $0x2  }
0xee: {  	s0 =	rddreg [dreg:$0x0];
	s2 =	stileid.u32  }
0xef: {  	s1 =	rddreg [dreg:$0x1];
	p0 =	sne.s32 s2, $0x0  }
0xf0: {  	s3 =	rddreg [dreg:$0x2];
	[bflag:$0x3] =	sbarrier.arrive $0xFFFF;
	s2 =	simm.s32 @!p0 $0x1C05  }
0xf1: {  	[timem:s3], [sflag:s2] =	dma.local @!p0 [hbm:s0], s1  }
0xf2: {  	s0 =	simm.s32 @!p0 $0x5  }
0xf3: {  	_ =	swait.ge @!p0 [sflag:s0], s1  }
0xf4: {  	s1 =	ssub.s32 @!p0 $0x0, s1;
	[sflag:s0] =	ssyncset.done @!p0 $0x0  }
0xf5: {  	[sflag:s0] =	ssyncadd.s32 @!p0 s1  }
0xf6: {  	[bflag:$0x3] =	sbarrier.arrive $0xFFFF  }
0xf7: {  	_ =	shalt  }

</sc_bundles>
